<compile_context>
chip_gen: v7x
topology: tpu7x:2x2x1
jax: 0.10.2.dev20260603
libtpu: 0.0.44.dev20260713+nightly
codegen_flags: <defaults>
</compile_context>

<pallas_src>
import functools

import jax
import jax.numpy as jnp
from jax import lax
from jax.experimental import pallas as pl
from jax.experimental.pallas import tpu as pltpu
from jax.experimental.pallas import tpu_sc as plsc

N = 10000
E = 160000
F_IN = 256
HID = 256
F_OUT = 128

NS = 16
EDGES_PER_W32 = E // 32
ACC_ROWS = 10016
NBUF = 3
ROWS_PER_TILE = N // NS
BLK = 2000

_f32 = jnp.float32


def _vsmesh():
    return plsc.VectorSubcoreMesh(core_axis_name="c", subcore_axis_name="s")


def _sc_compiler_params(layout_passes=True):
    return pltpu.CompilerParams(
        use_tc_tiling_on_sc=False,
        needs_layout_passes=layout_passes,
        internal_scratch_in_bytes=0,
    )



def _deg_call(edge_index):

    nfull = EDGES_PER_W32 // 16
    rem = EDGES_PER_W32 - nfull * 16

    @functools.partial(
        pl.kernel,
        out_type=jax.ShapeDtypeStruct((32, N), _f32),
        mesh=_vsmesh(),
        scratch_types=[
            pltpu.VMEM((EDGES_PER_W32 + 16,), jnp.int32),
            pltpu.VMEM((10016,), _f32),
        ],
        compiler_params=_sc_compiler_params(layout_passes=False),
    )
    def deg_kernel(edges_hbm, out_hbm, dstv, histv):
        c = lax.axis_index("c")
        s = lax.axis_index("s")
        w = c * NS + s
        dstv[pl.ds(EDGES_PER_W32 - rem, 16)] = jnp.zeros((16,), jnp.int32)
        pltpu.sync_copy(edges_hbm.at[1].at[pl.ds(w * EDGES_PER_W32,
                                                 EDGES_PER_W32)],
                        dstv.at[pl.ds(0, EDGES_PER_W32)])
        zf = jnp.zeros((16,), _f32)
        onef = jnp.ones((16,), _f32)

        @pl.loop(0, 10016 // 16)
        def _(i):
            histv[pl.ds(i * 16, 16)] = zf

        @pl.loop(0, nfull)
        def _(i):
            idx = dstv[pl.ds(i * 16, 16)]
            plsc.addupdate_scatter(histv, [idx], onef)

        tail = dstv[pl.ds(nfull * 16, 16)]
        lane = lax.broadcasted_iota(jnp.int32, (16,), 0)
        plsc.addupdate_scatter(histv, [tail], onef, mask=lane < rem)

        pltpu.sync_copy(histv.at[pl.ds(0, N)], out_hbm.at[w])

    return deg_kernel(edge_index)



def _agg_call(hs2, src_t, dst_t, feature_split):
    nt, nchunk, chunk = src_t.shape
    f = hs2.shape[-1]
    zslices = (ACC_ROWS // NS) // chunk
    zrem = (ACC_ROWS // NS) - zslices * chunk

    @functools.partial(
        pl.kernel,
        out_type=jax.ShapeDtypeStruct((2, N, f), _f32),
        mesh=_vsmesh(),
        scratch_types=[
            pltpu.VMEM((nchunk, chunk), jnp.int32),
            pltpu.VMEM((nchunk, chunk), jnp.int32),
            pltpu.VMEM((chunk, f), _f32),
            pltpu.VMEM((chunk, f), _f32),
            pltpu.VMEM((chunk, f), _f32),
            pltpu.VMEM_SHARED((ACC_ROWS, f), _f32),
            pltpu.SemaphoreType.DMA,
            pltpu.SemaphoreType.DMA,
            pltpu.SemaphoreType.DMA,
            pltpu.SemaphoreType.DMA,
            pltpu.SemaphoreType.DMA,
            pltpu.SemaphoreType.DMA,
        ],
        compiler_params=_sc_compiler_params(),
    )
    def agg_kernel(hs_hbm, src_hbm, dst_hbm, out_hbm,
                   srcv, dstv, r0, r1, r2, acc,
                   g0, g1, g2, s0, s1, s2):
        c = lax.axis_index("c")
        s = lax.axis_index("s")
        if feature_split:
            hs = hs_hbm.at[c]
            row = s
        else:
            hs = hs_hbm
            row = c * NS + s
        out = out_hbm.at[c]
        pltpu.sync_copy(src_hbm.at[row], srcv)
        pltpu.sync_copy(dst_hbm.at[row], dstv)

        zf = jnp.zeros((16,), _f32)

        @pl.loop(0, chunk)
        def _(r):
            @pl.loop(0, f // 16)
            def _(q):
                r0[r, pl.ds(q * 16, 16)] = zf

        base = s * (ACC_ROWS // NS)

        @pl.loop(0, zslices)
        def _(k):
            pltpu.sync_copy(r0, acc.at[pl.ds(base + k * chunk, chunk)])

        pltpu.sync_copy(r0.at[pl.ds(0, zrem)],
                        acc.at[pl.ds(base + zslices * chunk, zrem)])

        plsc.subcore_barrier()

        bufs = ((r0, g0, s0), (r1, g1, s1), (r2, g2, s2))[:NBUF]
        nb = len(bufs)
        for k, (r, g, _s) in enumerate(bufs):
            pltpu.async_copy(hs.at[srcv.at[k]], r, g)

        @pl.loop(0, nchunk // nb)
        def _(i):
            j0 = nb * i
            for k, (r, g, ss) in enumerate(bufs):
                j = j0 + k
                pltpu.make_async_copy(hs.at[srcv.at[j]], r, g).wait()
                pltpu.async_copy(r, acc.at[dstv.at[j]], ss, add=True)
            for k, (r, g, ss) in enumerate(bufs):
                j = j0 + k
                pltpu.make_async_copy(r, acc.at[dstv.at[j]], ss).wait()

                @pl.when(j + nb < nchunk)
                def _():
                    pltpu.async_copy(hs.at[srcv.at[j + nb]], r, g)

        for k in range(nchunk % nb):
            j = (nchunk // nb) * nb + k
            r, g, ss = bufs[k]
            pltpu.make_async_copy(hs.at[srcv.at[j]], r, g).wait()
            pltpu.async_copy(r, acc.at[dstv.at[j]], ss, add=True)
        for k in range(nchunk % nb):
            j = (nchunk // nb) * nb + k
            r, g, ss = bufs[k]
            pltpu.make_async_copy(r, acc.at[dstv.at[j]], ss).wait()

        plsc.subcore_barrier()
        pltpu.sync_copy(acc.at[pl.ds(s * ROWS_PER_TILE, ROWS_PER_TILE)],
                        out.at[pl.ds(s * ROWS_PER_TILE, ROWS_PER_TILE)])

    return agg_kernel(hs2, src_t, dst_t)



_DOT = functools.partial(
    lax.dot_general,
    precision=lax.Precision.DEFAULT,
    preferred_element_type=_f32,
)


def _mmscale_body(dv_ref, x_ref, w_ref, o_ref):
    hs = _DOT(x_ref[...], w_ref[...], (((1,), (0,)), ((), ()))) * dv_ref[...]
    o_ref[0] = hs[:, :HID // 2]
    o_ref[1] = hs[:, HID // 2:]


def _mmscale_call(dinv, x, w):
    return pl.pallas_call(
        _mmscale_body,
        grid=(N // BLK,),
        in_specs=[pl.BlockSpec((BLK, 1), lambda i: (i, 0)),
                  pl.BlockSpec((BLK, F_IN), lambda i: (i, 0)),
                  pl.BlockSpec((F_IN, HID), lambda i: (0, 0))],
        out_specs=pl.BlockSpec((2, BLK, HID // 2), lambda i: (0, i, 0)),
        out_shape=jax.ShapeDtypeStruct((2, N, HID // 2), _f32),
    )(dinv, x, w)


def _dinv_body(p_ref, dv_ref):
    ones = jnp.ones((32, 1), _f32)
    deg = _DOT(p_ref[...], ones, (((0,), (0,)), ((), ()))) + 1.0
    dv_ref[...] = lax.rsqrt(deg)


def _dinv_call(partials):
    return pl.pallas_call(
        _dinv_body,
        in_specs=[pl.BlockSpec((32, N), lambda: (0, 0))],
        out_specs=pl.BlockSpec((N, 1), lambda: (0, 0)),
        out_shape=jax.ShapeDtypeStruct((N, 1), _f32),
    )(partials)


def _layer_body(lo_ref, hi_ref, hs1lo_ref, hs1hi_ref, dv_ref, b1_ref,
                w2_ref, o2_ref):
    s1 = jnp.concatenate([lo_ref[0] + hs1lo_ref[0],
                          hi_ref[0] + hs1hi_ref[0]], axis=1)
    dinv = dv_ref[...]
    out1 = dinv * s1 + b1_ref[...]
    h = jnp.maximum(out1, 0.0)
    h2 = _DOT(h, w2_ref[...], (((1,), (0,)), ((), ())))
    o2_ref[...] = dinv * h2


def _layer_call(s1, hs1, dinv, b1, w2):
    return pl.pallas_call(
        _layer_body,
        grid=(N // BLK,),
        in_specs=[pl.BlockSpec((1, BLK, HID // 2), lambda i: (0, i, 0)),
                  pl.BlockSpec((1, BLK, HID // 2), lambda i: (1, i, 0)),
                  pl.BlockSpec((1, BLK, HID // 2), lambda i: (0, i, 0)),
                  pl.BlockSpec((1, BLK, HID // 2), lambda i: (1, i, 0)),
                  pl.BlockSpec((BLK, 1), lambda i: (i, 0)),
                  pl.BlockSpec((1, HID), lambda i: (0, 0)),
                  pl.BlockSpec((HID, F_OUT), lambda i: (0, 0))],
        out_specs=pl.BlockSpec((BLK, F_OUT), lambda i: (i, 0)),
        out_shape=jax.ShapeDtypeStruct((N, F_OUT), _f32),
    )(s1, s1, hs1, hs1, dinv, b1, w2)


def _final_body(lo_ref, hi_ref, hs2_ref, dv_ref, b2_ref, o_ref):
    s2 = lo_ref[0] + hi_ref[0] + hs2_ref[...]
    o_ref[...] = dv_ref[...] * s2 + b2_ref[...]


def _final_call(s2, hs2, dinv, b2):
    return pl.pallas_call(
        _final_body,
        grid=(N // BLK,),
        in_specs=[pl.BlockSpec((1, BLK, F_OUT), lambda i: (0, i, 0)),
                  pl.BlockSpec((1, BLK, F_OUT), lambda i: (1, i, 0)),
                  pl.BlockSpec((BLK, F_OUT), lambda i: (i, 0)),
                  pl.BlockSpec((BLK, 1), lambda i: (i, 0)),
                  pl.BlockSpec((1, F_OUT), lambda i: (0, 0))],
        out_specs=pl.BlockSpec((BLK, F_OUT), lambda i: (i, 0)),
        out_shape=jax.ShapeDtypeStruct((N, F_OUT), _f32),
    )(s2, s2, hs2, dinv, b2)



def kernel(x, edge_index, W1, b1, W2, b2):
    src = edge_index[0]
    dst = edge_index[1]
    src_t1 = src.reshape(NS, 125, 80)
    dst_t1 = dst.reshape(NS, 125, 80)
    src_t2 = src.reshape(2 * NS, 50, 100)
    dst_t2 = dst.reshape(2 * NS, 50, 100)

    partials = _deg_call(edge_index)
    dinv = _dinv_call(partials)
    hs1 = _mmscale_call(dinv, x, W1)
    s1 = _agg_call(hs1, src_t1, dst_t1, True)
    hs2 = _layer_call(s1, hs1, dinv, b1.reshape(1, HID), W2)
    s2 = _agg_call(hs2, src_t2, dst_t2, False)
    return _final_call(s2, hs2, dinv, b2.reshape(1, F_OUT))

# --- scband reference (transcript-rebuilt; emitter-appended) ---
"""Pipeline reference for scband-gcn-14396730376523 (READ-ONLY COPY).

The authoritative reference and input builder live on the scoring server;
editing this copy changes nothing except your own understanding.
"""

import jax, jax.numpy as jnp
import numpy as np

N = 10000
E = 160000
F_IN = 256
HID = 256
F_OUT = 128


def setup_inputs(seed: int = 0) -> dict:
    key = jax.random.key(seed)
    k1, k2, k3, k4 = jax.random.split(key, 4)
    x = jax.random.normal(k1, (N, F_IN), dtype=jnp.float32)
    edge_index = jax.random.randint(k2, (2, E), 0, N, dtype=jnp.int32)
    W1 = jax.random.normal(k3, (F_IN, HID), dtype=jnp.float32) * (1.0 / np.sqrt(F_IN))
    b1 = jnp.zeros((HID,), dtype=jnp.float32)
    W2 = jax.random.normal(k4, (HID, F_OUT), dtype=jnp.float32) * (1.0 / np.sqrt(HID))
    b2 = jnp.zeros((F_OUT,), dtype=jnp.float32)
    return {"x": x, "edge_index": edge_index, "W1": W1, "b1": b1, "W2": W2, "b2": b2}


def _gcn_conv(x, edge_index, W, b):
    # GCNConv: out = D^{-1/2} (A + I) D^{-1/2} X W + b
    h = x @ W
    self_loops = jnp.arange(N, dtype=edge_index.dtype)
    src = jnp.concatenate([edge_index[0], self_loops])
    dst = jnp.concatenate([edge_index[1], self_loops])
    deg = jax.ops.segment_sum(jnp.ones_like(dst, dtype=h.dtype), dst, num_segments=N)
    deg_inv_sqrt = jnp.where(deg > 0, jax.lax.rsqrt(jnp.maximum(deg, 1e-12)), 0.0)
    norm = deg_inv_sqrt[src] * deg_inv_sqrt[dst]
    msg = h[src] * norm[:, None]
    out = jax.ops.segment_sum(msg, dst, num_segments=N)
    return out + b


def reference(x, edge_index, W1, b1, W2, b2):
    h = jax.nn.relu(_gcn_conv(x, edge_index, W1, b1))
    out = _gcn_conv(h, edge_index, W2, b2)
    return out

if __name__ == "__main__":
    import jax
    _d = setup_inputs()
    print(jax.jit(kernel)(*tuple(_d.values())))

</pallas_src>

<mosaic_0001>
#map = affine_map<(d0, d1) -> (0, 0)>
module attributes {stable_mosaic.version = 14 : i64} {
  func.func @deg_kernel(%arg0: i32, %arg1: i32, %arg2: memref<2x160000xi32, #tpu.memory_space<hbm>>, %arg3: memref<32x10000xf32, #tpu.memory_space<hbm>>, %arg4: memref<5016xi32, #tpu.memory_space<vmem>>, %arg5: memref<10016xf32, #tpu.memory_space<vmem>>) attributes {dimension_semantics = [#tpu.dimension_semantics<core_parallel>, #tpu.dimension_semantics<subcore_parallel>], iteration_bounds = array<i64: 2, 16>, scalar_prefetch = 0 : i64, scratch_operands = 2 : i64, tpu.core_type = #tpu.core_type<sc_vector_subcore>, window_params = [{transform_indices = #map}, {transform_indices = #map}]} {
    %mul3A = arith.constant 16 : i32
    %mul3A_0 = arith.muli %arg0, %mul3A : i32
    %add3A = arith.addi %mul3A_0, %arg1 : i32
    %broadcast_in_dim3A = arith.constant 0 : i32
    %broadcast_in_dim3A_1 = vector.broadcast %broadcast_in_dim3A : i32 to vector<16xi32>
    %swap3A = arith.constant 4992 : index
    %swap3A_2 = tpu.vector_load %arg4[%swap3A] {strides = array<i32>} : memref<5016xi32, #tpu.memory_space<vmem>>, vector<16xi32>,
    tpu.vector_store %arg4[%swap3A], %broadcast_in_dim3A_1 {strides = array<i32>} : memref<5016xi32, #tpu.memory_space<vmem>>, vector<16xi32>,
    %mul3A_3 = arith.constant 5000 : i32
    %mul3A_4 = arith.muli %add3A, %mul3A_3 : i32
    %run_scoped3A = arith.constant 1 : i32
    "tpu.region"() ({
      %run_scoped3A_21 = tpu.sem_alloc : memref<!tpu.dma_semaphore, #tpu.memory_space<semaphore_mem>>
      %dma_start3A = arith.constant 0 : i32
      %dma_start3A_22 = tpu.memref_slice %arg4[%dma_start3A] : memref<5016xi32, #tpu.memory_space<vmem>> -> memref<5000xi32, #tpu.memory_space<vmem>>
      %dma_start3A_23 = arith.constant 0 : i32
      %dma_start3A_24 = tpu.memref_slice %arg2[%run_scoped3A, %dma_start3A_23] : memref<2x160000xi32, #tpu.memory_space<hbm>> -> memref<1x160000xi32, #tpu.memory_space<hbm>>
      %dma_start3A_25 = tpu.memref_squeeze %dma_start3A_24 : memref<1x160000xi32, #tpu.memory_space<hbm>> -> memref<160000xi32, #tpu.memory_space<hbm>>
      %dma_start3A_26 = tpu.memref_slice %dma_start3A_25[%mul3A_4] : memref<160000xi32, #tpu.memory_space<hbm>> -> memref<5000xi32, #tpu.memory_space<hbm>>
      %dma_start3A_27 = arith.constant 0 : i32
      %dma_start3A_28 = tpu.memref_slice %arg4[%dma_start3A_27] : memref<5016xi32, #tpu.memory_space<vmem>> -> memref<5000xi32, #tpu.memory_space<vmem>>
      %dma_start3A_29 = arith.constant 0 : i32
      %dma_start3A_30 = tpu.memref_slice %arg2[%run_scoped3A, %dma_start3A_29] : memref<2x160000xi32, #tpu.memory_space<hbm>> -> memref<1x160000xi32, #tpu.memory_space<hbm>>
      %dma_start3A_31 = tpu.memref_squeeze %dma_start3A_30 : memref<1x160000xi32, #tpu.memory_space<hbm>> -> memref<160000xi32, #tpu.memory_space<hbm>>
      %dma_start3A_32 = tpu.memref_slice %dma_start3A_31[%mul3A_4] : memref<160000xi32, #tpu.memory_space<hbm>> -> memref<5000xi32, #tpu.memory_space<hbm>>
      tpu.enqueue_dma source(%dma_start3A_32 : memref<5000xi32, #tpu.memory_space<hbm>>) target(%dma_start3A_28 : memref<5000xi32, #tpu.memory_space<vmem>>) target_semaphore(%run_scoped3A_21 : memref<!tpu.dma_semaphore, #tpu.memory_space<semaphore_mem>>)
      %dma_wait3A = arith.constant 0 : i32
      %dma_wait3A_33 = tpu.memref_slice %arg4[%dma_wait3A] : memref<5016xi32, #tpu.memory_space<vmem>> -> memref<5000xi32, #tpu.memory_space<vmem>>
      %dma_wait3A_34 = arith.constant 0 : i32
      %dma_wait3A_35 = tpu.memref_slice %arg2[%run_scoped3A, %dma_wait3A_34] : memref<2x160000xi32, #tpu.memory_space<hbm>> -> memref<1x160000xi32, #tpu.memory_space<hbm>>
      %dma_wait3A_36 = tpu.memref_squeeze %dma_wait3A_35 : memref<1x160000xi32, #tpu.memory_space<hbm>> -> memref<160000xi32, #tpu.memory_space<hbm>>
      %dma_wait3A_37 = tpu.memref_slice %dma_wait3A_36[%mul3A_4] : memref<160000xi32, #tpu.memory_space<hbm>> -> memref<5000xi32, #tpu.memory_space<hbm>>
      %dma_wait3A_38 = arith.constant 0 : i32
      %dma_wait3A_39 = tpu.memref_slice %arg4[%dma_wait3A_38] : memref<5016xi32, #tpu.memory_space<vmem>> -> memref<5000xi32, #tpu.memory_space<vmem>>
      %dma_wait3A_40 = arith.constant 0 : i32
      %dma_wait3A_41 = tpu.memref_slice %arg2[%run_scoped3A, %dma_wait3A_40] : memref<2x160000xi32, #tpu.memory_space<hbm>> -> memref<1x160000xi32, #tpu.memory_space<hbm>>
      %dma_wait3A_42 = tpu.memref_squeeze %dma_wait3A_41 : memref<1x160000xi32, #tpu.memory_space<hbm>> -> memref<160000xi32, #tpu.memory_space<hbm>>
      %dma_wait3A_43 = tpu.memref_slice %dma_wait3A_42[%mul3A_4] : memref<160000xi32, #tpu.memory_space<hbm>> -> memref<5000xi32, #tpu.memory_space<hbm>>
      tpu.wait_dma2 semaphore(%run_scoped3A_21 : memref<!tpu.dma_semaphore, #tpu.memory_space<semaphore_mem>>) src(%dma_wait3A_43 : memref<5000xi32, #tpu.memory_space<hbm>>) dst(%dma_wait3A_39 : memref<5000xi32, #tpu.memory_space<vmem>>)
      tpu.yield
    }) : () -> ()
    %broadcast_in_dim3A_5 = arith.constant 0.000000e+00 : f32
    %broadcast_in_dim3A_6 = vector.broadcast %broadcast_in_dim3A_5 : f32 to vector<16xf32>
    %broadcast_in_dim3A_7 = arith.constant 1.000000e+00 : f32
    %broadcast_in_dim3A_8 = vector.broadcast %broadcast_in_dim3A_7 : f32 to vector<16xf32>
    %scan3A = arith.constant 0 : i32
    %scan3A_9 = arith.constant 626 : i32
    %scan3A_10 = arith.addi %scan3A, %scan3A_9 : i32
    %scan3A_11 = arith.constant 1 : i32
    scf.for %scan3A_21 = %scan3A to %scan3A_10 step %scan3A_11  : i32 {
      %mul3A_22 = arith.constant 1 : i32
      %mul3A_23 = arith.muli %scan3A_21, %mul3A_22 : i32
      %add3A_24 = arith.constant 0 : i32
      %add3A_25 = arith.addi %add3A_24, %mul3A_23 : i32
      %mul3A_26 = arith.constant 16 : i32
      %mul3A_27 = arith.muli %add3A_25, %mul3A_26 : i32
      %swap3A_28 = arith.index_cast %mul3A_27 : i32 to index
      %swap3A_29 = tpu.vector_load %arg5[%swap3A_28] {strides = array<i32>} : memref<10016xf32, #tpu.memory_space<vmem>>, vector<16xf32>,
      tpu.vector_store %arg5[%swap3A_28], %broadcast_in_dim3A_6 {strides = array<i32>} : memref<10016xf32, #tpu.memory_space<vmem>>, vector<16xf32>,
    }
    %scan3A_12 = arith.constant 626 : i32
    %scan3A_13 = arith.constant 0 : i32
    %scan3A_14 = arith.constant 312 : i32
    %scan3A_15 = arith.addi %scan3A_13, %scan3A_14 : i32
    %scan3A_16 = arith.constant 1 : i32
    scf.for %scan3A_21 = %scan3A_13 to %scan3A_15 step %scan3A_16  : i32 {
      %mul3A_22 = arith.constant 1 : i32
      %mul3A_23 = arith.muli %scan3A_21, %mul3A_22 : i32
      %add3A_24 = arith.constant 0 : i32
      %add3A_25 = arith.addi %add3A_24, %mul3A_23 : i32
      %mul3A_26 = arith.constant 16 : i32
      %mul3A_27 = arith.muli %add3A_25, %mul3A_26 : i32
      %get3A_28 = arith.index_cast %mul3A_27 : i32 to index
      %get3A_29 = tpu.vector_load %arg4[%get3A_28] {strides = array<i32>} : memref<5016xi32, #tpu.memory_space<vmem>>, vector<16xi32>,
      tpu.vector_store_idx %arg5[%get3A_29], %broadcast_in_dim3A_8 {add = true} : memref<10016xf32, #tpu.memory_space<vmem>>[vector<16xi32>], vector<16xf32>,
    }
    %scan3A_17 = arith.constant 312 : i32
    %get3A = arith.constant 4992 : index
    %get3A_18 = tpu.vector_load %arg4[%get3A] {strides = array<i32>} : memref<5016xi32, #tpu.memory_space<vmem>>, vector<16xi32>,
    %iota3A = tpu.iota {dimensions = array<i32: 0>} : vector<16xi32>
    %lt3A = arith.constant 8 : i32
    %lt3A_19 = vector.broadcast %lt3A : i32 to vector<16xi32>
    %lt3A_20 = arith.cmpi slt, %iota3A, %lt3A_19 : vector<16xi32>
    tpu.vector_store_idx %arg5[%get3A_18], %broadcast_in_dim3A_8 masked %lt3A_20 {add = true} : memref<10016xf32, #tpu.memory_space<vmem>>[vector<16xi32>], vector<16xf32>, vector<16xi1>
    "tpu.region"() ({
      %run_scoped3A_21 = tpu.sem_alloc : memref<!tpu.dma_semaphore, #tpu.memory_space<semaphore_mem>>
      %dma_start3A = arith.constant 0 : i32
      %dma_start3A_22 = tpu.memref_slice %arg5[%dma_start3A] : memref<10016xf32, #tpu.memory_space<vmem>> -> memref<10000xf32, #tpu.memory_space<vmem>>
      %dma_start3A_23 = arith.constant 0 : i32
      %dma_start3A_24 = tpu.memref_slice %arg3[%add3A, %dma_start3A_23] : memref<32x10000xf32, #tpu.memory_space<hbm>> -> memref<1x10000xf32, #tpu.memory_space<hbm>>
      %dma_start3A_25 = tpu.memref_squeeze %dma_start3A_24 : memref<1x10000xf32, #tpu.memory_space<hbm>> -> memref<10000xf32, #tpu.memory_space<hbm>>
      %dma_start3A_26 = arith.constant 0 : i32
      %dma_start3A_27 = tpu.memref_slice %arg3[%add3A, %dma_start3A_26] : memref<32x10000xf32, #tpu.memory_space<hbm>> -> memref<1x10000xf32, #tpu.memory_space<hbm>>
      %dma_start3A_28 = tpu.memref_squeeze %dma_start3A_27 : memref<1x10000xf32, #tpu.memory_space<hbm>> -> memref<10000xf32, #tpu.memory_space<hbm>>
      %dma_start3A_29 = arith.constant 0 : i32
      %dma_start3A_30 = tpu.memref_slice %arg5[%dma_start3A_29] : memref<10016xf32, #tpu.memory_space<vmem>> -> memref<10000xf32, #tpu.memory_space<vmem>>
      tpu.enqueue_dma source(%dma_start3A_30 : memref<10000xf32, #tpu.memory_space<vmem>>) target(%dma_start3A_28 : memref<10000xf32, #tpu.memory_space<hbm>>) target_semaphore(%run_scoped3A_21 : memref<!tpu.dma_semaphore, #tpu.memory_space<semaphore_mem>>)
      %dma_wait3A = arith.constant 0 : i32
      %dma_wait3A_31 = tpu.memref_slice %arg5[%dma_wait3A] : memref<10016xf32, #tpu.memory_space<vmem>> -> memref<10000xf32, #tpu.memory_space<vmem>>
      %dma_wait3A_32 = arith.constant 0 : i32
      %dma_wait3A_33 = tpu.memref_slice %arg3[%add3A, %dma_wait3A_32] : memref<32x10000xf32, #tpu.memory_space<hbm>> -> memref<1x10000xf32, #tpu.memory_space<hbm>>
      %dma_wait3A_34 = tpu.memref_squeeze %dma_wait3A_33 : memref<1x10000xf32, #tpu.memory_space<hbm>> -> memref<10000xf32, #tpu.memory_space<hbm>>
      %dma_wait3A_35 = arith.constant 0 : i32
      %dma_wait3A_36 = tpu.memref_slice %arg3[%add3A, %dma_wait3A_35] : memref<32x10000xf32, #tpu.memory_space<hbm>> -> memref<1x10000xf32, #tpu.memory_space<hbm>>
      %dma_wait3A_37 = tpu.memref_squeeze %dma_wait3A_36 : memref<1x10000xf32, #tpu.memory_space<hbm>> -> memref<10000xf32, #tpu.memory_space<hbm>>
      %dma_wait3A_38 = arith.constant 0 : i32
      %dma_wait3A_39 = tpu.memref_slice %arg5[%dma_wait3A_38] : memref<10016xf32, #tpu.memory_space<vmem>> -> memref<10000xf32, #tpu.memory_space<vmem>>
      tpu.wait_dma2 semaphore(%run_scoped3A_21 : memref<!tpu.dma_semaphore, #tpu.memory_space<semaphore_mem>>) src(%dma_wait3A_39 : memref<10000xf32, #tpu.memory_space<vmem>>) dst(%dma_wait3A_37 : memref<10000xf32, #tpu.memory_space<hbm>>)
      tpu.yield
    }) : () -> ()
    return
  }
}

#map = affine_map<(d0, d1) -> (0, 0, 0)>
module attributes {stable_mosaic.version = 14 : i64} {
  func.func @agg_kernel(%arg0: i32, %arg1: i32, %arg2: memref<2x10000x128xf32, #tpu.memory_space<hbm>>, %arg3: memref<16x125x80xi32, #tpu.memory_space<hbm>>, %arg4: memref<16x125x80xi32, #tpu.memory_space<hbm>>, %arg5: memref<2x10000x128xf32, #tpu.memory_space<hbm>>, %arg6: memref<125x80xi32, #tpu.memory_space<vmem>>, %arg7: memref<125x80xi32, #tpu.memory_space<vmem>>, %arg8: memref<80x128xf32, #tpu.memory_space<vmem>>, %arg9: memref<80x128xf32, #tpu.memory_space<vmem>>, %arg10: memref<80x128xf32, #tpu.memory_space<vmem>>, %arg11: memref<10016x128xf32, #tpu.memory_space<vmem_shared>>, %arg12: memref<!tpu.dma_semaphore, #tpu.memory_space<semaphore_mem>>, %arg13: memref<!tpu.dma_semaphore, #tpu.memory_space<semaphore_mem>>, %arg14: memref<!tpu.dma_semaphore, #tpu.memory_space<semaphore_mem>>, %arg15: memref<!tpu.dma_semaphore, #tpu.memory_space<semaphore_mem>>, %arg16: memref<!tpu.dma_semaphore, #tpu.memory_space<semaphore_mem>>, %arg17: memref<!tpu.dma_semaphore, #tpu.memory_space<semaphore_mem>>) attributes {dimension_semantics = [#tpu.dimension_semantics<core_parallel>, #tpu.dimension_semantics<subcore_parallel>], iteration_bounds = array<i64: 2, 16>, scalar_prefetch = 0 : i64, scratch_operands = 12 : i64, tpu.core_type = #tpu.core_type<sc_vector_subcore>, window_params = [{transform_indices = #map}, {transform_indices = #map}, {transform_indices = #map}, {transform_indices = #map}]} {
    "tpu.region"() ({
      %run_scoped3A = tpu.sem_alloc : memref<!tpu.dma_semaphore, #tpu.memory_space<semaphore_mem>>
      %dma_start3A_103 = arith.constant 0 : i32
      %dma_start3A_104 = arith.constant 0 : i32
      %dma_start3A_105 = tpu.memref_slice %arg3[%arg1, %dma_start3A_103, %dma_start3A_104] : memref<16x125x80xi32, #tpu.memory_space<hbm>> -> memref<1x125x80xi32, #tpu.memory_space<hbm>>
      %dma_start3A_106 = tpu.memref_squeeze %dma_start3A_105 : memref<1x125x80xi32, #tpu.memory_space<hbm>> -> memref<125x80xi32, #tpu.memory_space<hbm>>
      %dma_start3A_107 = arith.constant 0 : i32
      %dma_start3A_108 = arith.constant 0 : i32
      %dma_start3A_109 = tpu.memref_slice %arg3[%arg1, %dma_start3A_107, %dma_start3A_108] : memref<16x125x80xi32, #tpu.memory_space<hbm>> -> memref<1x125x80xi32, #tpu.memory_space<hbm>>
      %dma_start3A_110 = tpu.memref_squeeze %dma_start3A_109 : memref<1x125x80xi32, #tpu.memory_space<hbm>> -> memref<125x80xi32, #tpu.memory_space<hbm>>
      tpu.enqueue_dma source(%dma_start3A_110 : memref<125x80xi32, #tpu.memory_space<hbm>>) target(%arg6 : memref<125x80xi32, #tpu.memory_space<vmem>>) target_semaphore(%run_scoped3A : memref<!tpu.dma_semaphore, #tpu.memory_space<semaphore_mem>>)
      %dma_wait3A_111 = arith.constant 0 : i32
      %dma_wait3A_112 = arith.constant 0 : i32
      %dma_wait3A_113 = tpu.memref_slice %arg3[%arg1, %dma_wait3A_111, %dma_wait3A_112] : memref<16x125x80xi32, #tpu.memory_space<hbm>> -> memref<1x125x80xi32, #tpu.memory_space<hbm>>
      %dma_wait3A_114 = tpu.memref_squeeze %dma_wait3A_113 : memref<1x125x80xi32, #tpu.memory_space<hbm>> -> memref<125x80xi32, #tpu.memory_space<hbm>>
      %dma_wait3A_115 = arith.constant 0 : i32
      %dma_wait3A_116 = arith.constant 0 : i32
      %dma_wait3A_117 = tpu.memref_slice %arg3[%arg1, %dma_wait3A_115, %dma_wait3A_116] : memref<16x125x80xi32, #tpu.memory_space<hbm>> -> memref<1x125x80xi32, #tpu.memory_space<hbm>>
      %dma_wait3A_118 = tpu.memref_squeeze %dma_wait3A_117 : memref<1x125x80xi32, #tpu.memory_space<hbm>> -> memref<125x80xi32, #tpu.memory_space<hbm>>
      tpu.wait_dma2 semaphore(%run_scoped3A : memref<!tpu.dma_semaphore, #tpu.memory_space<semaphore_mem>>) src(%dma_wait3A_118 : memref<125x80xi32, #tpu.memory_space<hbm>>) dst(%arg6 : memref<125x80xi32, #tpu.memory_space<vmem>>)
      tpu.yield
    }) : () -> ()
    "tpu.region"() ({
      %run_scoped3A = tpu.sem_alloc : memref<!tpu.dma_semaphore, #tpu.memory_space<semaphore_mem>>
      %dma_start3A_103 = arith.constant 0 : i32
      %dma_start3A_104 = arith.constant 0 : i32
      %dma_start3A_105 = tpu.memref_slice %arg4[%arg1, %dma_start3A_103, %dma_start3A_104] : memref<16x125x80xi32, #tpu.memory_space<hbm>> -> memref<1x125x80xi32, #tpu.memory_space<hbm>>
      %dma_start3A_106 = tpu.memref_squeeze %dma_start3A_105 : memref<1x125x80xi32, #tpu.memory_space<hbm>> -> memref<125x80xi32, #tpu.memory_space<hbm>>
      %dma_start3A_107 = arith.constant 0 : i32
      %dma_start3A_108 = arith.constant 0 : i32
      %dma_start3A_109 = tpu.memref_slice %arg4[%arg1, %dma_start3A_107, %dma_start3A_108] : memref<16x125x80xi32, #tpu.memory_space<hbm>> -> memref<1x125x80xi32, #tpu.memory_space<hbm>>
      %dma_start3A_110 = tpu.memref_squeeze %dma_start3A_109 : memref<1x125x80xi32, #tpu.memory_space<hbm>> -> memref<125x80xi32, #tpu.memory_space<hbm>>
      tpu.enqueue_dma source(%dma_start3A_110 : memref<125x80xi32, #tpu.memory_space<hbm>>) target(%arg7 : memref<125x80xi32, #tpu.memory_space<vmem>>) target_semaphore(%run_scoped3A : memref<!tpu.dma_semaphore, #tpu.memory_space<semaphore_mem>>)
      %dma_wait3A_111 = arith.constant 0 : i32
      %dma_wait3A_112 = arith.constant 0 : i32
      %dma_wait3A_113 = tpu.memref_slice %arg4[%arg1, %dma_wait3A_111, %dma_wait3A_112] : memref<16x125x80xi32, #tpu.memory_space<hbm>> -> memref<1x125x80xi32, #tpu.memory_space<hbm>>
      %dma_wait3A_114 = tpu.memref_squeeze %dma_wait3A_113 : memref<1x125x80xi32, #tpu.memory_space<hbm>> -> memref<125x80xi32, #tpu.memory_space<hbm>>
      %dma_wait3A_115 = arith.constant 0 : i32
      %dma_wait3A_116 = arith.constant 0 : i32
      %dma_wait3A_117 = tpu.memref_slice %arg4[%arg1, %dma_wait3A_115, %dma_wait3A_116] : memref<16x125x80xi32, #tpu.memory_space<hbm>> -> memref<1x125x80xi32, #tpu.memory_space<hbm>>
      %dma_wait3A_118 = tpu.memref_squeeze %dma_wait3A_117 : memref<1x125x80xi32, #tpu.memory_space<hbm>> -> memref<125x80xi32, #tpu.memory_space<hbm>>
      tpu.wait_dma2 semaphore(%run_scoped3A : memref<!tpu.dma_semaphore, #tpu.memory_space<semaphore_mem>>) src(%dma_wait3A_118 : memref<125x80xi32, #tpu.memory_space<hbm>>) dst(%arg7 : memref<125x80xi32, #tpu.memory_space<vmem>>)
      tpu.yield
    }) : () -> ()
    %broadcast_in_dim3A = arith.constant 0.000000e+00 : f32
    %broadcast_in_dim3A_0 = vector.broadcast %broadcast_in_dim3A : f32 to vector<16xf32>
    %scan3A = arith.constant 0 : i32
    %scan3A_1 = arith.constant 80 : i32
    %scan3A_2 = arith.addi %scan3A, %scan3A_1 : i32
    %scan3A_3 = arith.constant 1 : i32
    scf.for %scan3A_103 = %scan3A to %scan3A_2 step %scan3A_3  : i32 {
      %mul3A_104 = arith.constant 1 : i32
      %mul3A_105 = arith.muli %scan3A_103, %mul3A_104 : i32
      %add3A_106 = arith.constant 0 : i32
      %add3A_107 = arith.addi %add3A_106, %mul3A_105 : i32
      %scan3A_108 = arith.constant 0 : i32
      %scan3A_109 = arith.constant 8 : i32
      %scan3A_110 = arith.addi %scan3A_108, %scan3A_109 : i32
      %scan3A_111 = arith.constant 1 : i32
      scf.for %scan3A_113 = %scan3A_108 to %scan3A_110 step %scan3A_111  : i32 {
        %mul3A_114 = arith.constant 1 : i32
        %mul3A_115 = arith.muli %scan3A_113, %mul3A_114 : i32
        %add3A_116 = arith.constant 0 : i32
        %add3A_117 = arith.addi %add3A_116, %mul3A_115 : i32
        %mul3A_118 = arith.constant 16 : i32
        %mul3A_119 = arith.muli %add3A_117, %mul3A_118 : i32
        %swap3A = arith.index_cast %add3A_107 : i32 to index
        %swap3A_120 = arith.index_cast %mul3A_119 : i32 to index
        %swap3A_121 = tpu.vector_load %arg8[%swap3A, %swap3A_120] {strides = array<i32>} : memref<80x128xf32, #tpu.memory_space<vmem>>, vector<1x16xf32>,
        %swap3A_122 = vector.shape_cast %swap3A_121 : vector<1x16xf32> to vector<16xf32>
        %swap3A_123 = vector.shape_cast %broadcast_in_dim3A_0 : vector<16xf32> to vector<1x16xf32>
        tpu.vector_store %arg8[%swap3A, %swap3A_120], %swap3A_123 {strides = array<i32>} : memref<80x128xf32, #tpu.memory_space<vmem>>, vector<1x16xf32>,
      }
      %scan3A_112 = arith.constant 8 : i32
    }
    %scan3A_4 = arith.constant 80 : i32
    %mul3A = arith.constant 626 : i32
    %mul3A_5 = arith.muli %arg1, %mul3A : i32
    %scan3A_6 = arith.constant 0 : i32
    %scan3A_7 = arith.constant 7 : i32
    %scan3A_8 = arith.addi %scan3A_6, %scan3A_7 : i32
    %scan3A_9 = arith.constant 1 : i32
    scf.for %scan3A_103 = %scan3A_6 to %scan3A_8 step %scan3A_9  : i32 {
      %mul3A_104 = arith.constant 1 : i32
      %mul3A_105 = arith.muli %scan3A_103, %mul3A_104 : i32
      %add3A_106 = arith.constant 0 : i32
      %add3A_107 = arith.addi %add3A_106, %mul3A_105 : i32
      %mul3A_108 = arith.constant 80 : i32
      %mul3A_109 = arith.muli %add3A_107, %mul3A_108 : i32
      %add3A_110 = arith.addi %mul3A_5, %mul3A_109 : i32
      "tpu.region"() ({
        %run_scoped3A = tpu.sem_alloc : memref<!tpu.dma_semaphore, #tpu.memory_space<semaphore_mem>>
        %dma_start3A_111 = arith.constant 0 : i32
        %dma_start3A_112 = tpu.memref_slice %arg11[%add3A_110, %dma_start3A_111] : memref<10016x128xf32, #tpu.memory_space<vmem_shared>> -> memref<80x128xf32, #tpu.memory_space<vmem_shared>>
        %dma_start3A_113 = arith.constant 0 : i32
        %dma_start3A_114 = tpu.memref_slice %arg11[%add3A_110, %dma_start3A_113] : memref<10016x128xf32, #tpu.memory_space<vmem_shared>> -> memref<80x128xf32, #tpu.memory_space<vmem_shared>>
        tpu.enqueue_dma source(%arg8 : memref<80x128xf32, #tpu.memory_space<vmem>>) target(%dma_start3A_114 : memref<80x128xf32, #tpu.memory_space<vmem_shared>>) target_semaphore(%run_scoped3A : memref<!tpu.dma_semaphore, #tpu.memory_space<semaphore_mem>>)
        %dma_wait3A_115 = arith.constant 0 : i32
        %dma_wait3A_116 = tpu.memref_slice %arg11[%add3A_110, %dma_wait3A_115] : memref<10016x128xf32, #tpu.memory_space<vmem_shared>> -> memref<80x128xf32, #tpu.memory_space<vmem_shared>>
        %dma_wait3A_117 = arith.constant 0 : i32
        %dma_wait3A_118 = tpu.memref_slice %arg11[%add3A_110, %dma_wait3A_117] : memref<10016x128xf32, #tpu.memory_space<vmem_shared>> -> memref<80x128xf32, #tpu.memory_space<vmem_shared>>
        tpu.wait_dma2 semaphore(%run_scoped3A : memref<!tpu.dma_semaphore, #tpu.memory_space<semaphore_mem>>) src(%arg8 : memref<80x128xf32, #tpu.memory_space<vmem>>) dst(%dma_wait3A_118 : memref<80x128xf32, #tpu.memory_space<vmem_shared>>)
        tpu.yield
      }) : () -> ()
    }
    %scan3A_10 = arith.constant 7 : i32
    %add3A = arith.constant 560 : i32
    %add3A_11 = arith.addi %mul3A_5, %add3A : i32
    "tpu.region"() ({
      %run_scoped3A = tpu.sem_alloc : memref<!tpu.dma_semaphore, #tpu.memory_space<semaphore_mem>>
      %dma_start3A_103 = arith.constant 0 : i32
      %dma_start3A_104 = arith.constant 0 : i32
      %dma_start3A_105 = tpu.memref_slice %arg8[%dma_start3A_103, %dma_start3A_104] : memref<80x128xf32, #tpu.memory_space<vmem>> -> memref<66x128xf32, #tpu.memory_space<vmem>>
      %dma_start3A_106 = arith.constant 0 : i32
      %dma_start3A_107 = tpu.memref_slice %arg11[%add3A_11, %dma_start3A_106] : memref<10016x128xf32, #tpu.memory_space<vmem_shared>> -> memref<66x128xf32, #tpu.memory_space<vmem_shared>>
      %dma_start3A_108 = arith.constant 0 : i32
      %dma_start3A_109 = tpu.memref_slice %arg11[%add3A_11, %dma_start3A_108] : memref<10016x128xf32, #tpu.memory_space<vmem_shared>> -> memref<66x128xf32, #tpu.memory_space<vmem_shared>>
      %dma_start3A_110 = arith.constant 0 : i32
      %dma_start3A_111 = arith.constant 0 : i32
      %dma_start3A_112 = tpu.memref_slice %arg8[%dma_start3A_110, %dma_start3A_111] : memref<80x128xf32, #tpu.memory_space<vmem>> -> memref<66x128xf32, #tpu.memory_space<vmem>>
      tpu.enqueue_dma source(%dma_start3A_112 : memref<66x128xf32, #tpu.memory_space<vmem>>) target(%dma_start3A_109 : memref<66x128xf32, #tpu.memory_space<vmem_shared>>) target_semaphore(%run_scoped3A : memref<!tpu.dma_semaphore, #tpu.memory_space<semaphore_mem>>)
      %dma_wait3A_113 = arith.constant 0 : i32
      %dma_wait3A_114 = arith.constant 0 : i32
      %dma_wait3A_115 = tpu.memref_slice %arg8[%dma_wait3A_113, %dma_wait3A_114] : memref<80x128xf32, #tpu.memory_space<vmem>> -> memref<66x128xf32, #tpu.memory_space<vmem>>
      %dma_wait3A_116 = arith.constant 0 : i32
      %dma_wait3A_117 = tpu.memref_slice %arg11[%add3A_11, %dma_wait3A_116] : memref<10016x128xf32, #tpu.memory_space<vmem_shared>> -> memref<66x128xf32, #tpu.memory_space<vmem_shared>>
      %dma_wait3A_118 = arith.constant 0 : i32
      %dma_wait3A_119 = tpu.memref_slice %arg11[%add3A_11, %dma_wait3A_118] : memref<10016x128xf32, #tpu.memory_space<vmem_shared>> -> memref<66x128xf32, #tpu.memory_space<vmem_shared>>
      %dma_wait3A_120 = arith.constant 0 : i32
      %dma_wait3A_121 = arith.constant 0 : i32
      %dma_wait3A_122 = tpu.memref_slice %arg8[%dma_wait3A_120, %dma_wait3A_121] : memref<80x128xf32, #tpu.memory_space<vmem>> -> memref<66x128xf32, #tpu.memory_space<vmem>>
      tpu.wait_dma2 semaphore(%run_scoped3A : memref<!tpu.dma_semaphore, #tpu.memory_space<semaphore_mem>>) src(%dma_wait3A_122 : memref<66x128xf32, #tpu.memory_space<vmem>>) dst(%dma_wait3A_119 : memref<66x128xf32, #tpu.memory_space<vmem_shared>>)
      tpu.yield
    }) : () -> ()
    %barrier3A = arith.constant 0 : index
    tpu.barrier barrier_id(%barrier3A)
    %dma_start3A = arith.constant 0 : i32
    %dma_start3A_12 = arith.constant 0 : i32
    %dma_start3A_13 = tpu.memref_slice %arg6[%dma_start3A, %dma_start3A_12] : memref<125x80xi32, #tpu.memory_space<vmem>> -> memref<1x80xi32, #tpu.memory_space<vmem>>
    %dma_start3A_14 = tpu.memref_squeeze %dma_start3A_13 : memref<1x80xi32, #tpu.memory_space<vmem>> -> memref<80xi32, #tpu.memory_space<vmem>>
    %dma_start3A_15 = arith.constant 0 : i32
    %dma_start3A_16 = arith.constant 0 : i32
    %dma_start3A_17 = tpu.memref_slice %arg2[%arg0, %dma_start3A_15, %dma_start3A_16] : memref<2x10000x128xf32, #tpu.memory_space<hbm>> -> memref<1x10000x128xf32, #tpu.memory_space<hbm>>
    %dma_start3A_18 = tpu.memref_squeeze %dma_start3A_17 : memref<1x10000x128xf32, #tpu.memory_space<hbm>> -> memref<10000x128xf32, #tpu.memory_space<hbm>>
    %dma_start3A_19 = arith.constant 0 : i32
    %dma_start3A_20 = arith.constant 0 : i32
    %dma_start3A_21 = tpu.memref_slice %dma_start3A_18[%dma_start3A_19, %dma_start3A_20] : memref<10000x128xf32, #tpu.memory_space<hbm>> -> memref<10000x128xf32, #tpu.memory_space<hbm>>
    tpu.enqueue_indirect_dma source(%dma_start3A_21 : memref<10000x128xf32, #tpu.memory_space<hbm>>) target(%arg8 : memref<80x128xf32, #tpu.memory_space<vmem>>) offsets(%dma_start3A_14 : memref<80xi32, #tpu.memory_space<vmem>>) semaphore(%arg12 : memref<!tpu.dma_semaphore, #tpu.memory_space<semaphore_mem>>)
    %dma_start3A_22 = arith.constant 1 : i32
    %dma_start3A_23 = arith.constant 0 : i32
    %dma_start3A_24 = tpu.memref_slice %arg6[%dma_start3A_22, %dma_start3A_23] : memref<125x80xi32, #tpu.memory_space<vmem>> -> memref<1x80xi32, #tpu.memory_space<vmem>>
    %dma_start3A_25 = tpu.memref_squeeze %dma_start3A_24 : memref<1x80xi32, #tpu.memory_space<vmem>> -> memref<80xi32, #tpu.memory_space<vmem>>
    %dma_start3A_26 = arith.constant 0 : i32
    %dma_start3A_27 = arith.constant 0 : i32
    %dma_start3A_28 = tpu.memref_slice %arg2[%arg0, %dma_start3A_26, %dma_start3A_27] : memref<2x10000x128xf32, #tpu.memory_space<hbm>> -> memref<1x10000x128xf32, #tpu.memory_space<hbm>>
    %dma_start3A_29 = tpu.memref_squeeze %dma_start3A_28 : memref<1x10000x128xf32, #tpu.memory_space<hbm>> -> memref<10000x128xf32, #tpu.memory_space<hbm>>
    %dma_start3A_30 = arith.constant 0 : i32
    %dma_start3A_31 = arith.constant 0 : i32
    %dma_start3A_32 = tpu.memref_slice %dma_start3A_29[%dma_start3A_30, %dma_start3A_31] : memref<10000x128xf32, #tpu.memory_space<hbm>> -> memref<10000x128xf32, #tpu.memory_space<hbm>>
    tpu.enqueue_indirect_dma source(%dma_start3A_32 : memref<10000x128xf32, #tpu.memory_space<hbm>>) target(%arg9 : memref<80x128xf32, #tpu.memory_space<vmem>>) offsets(%dma_start3A_25 : memref<80xi32, #tpu.memory_space<vmem>>) semaphore(%arg13 : memref<!tpu.dma_semaphore, #tpu.memory_space<semaphore_mem>>)
    %dma_start3A_33 = arith.constant 2 : i32
    %dma_start3A_34 = arith.constant 0 : i32
    %dma_start3A_35 = tpu.memref_slice %arg6[%dma_start3A_33, %dma_start3A_34] : memref<125x80xi32, #tpu.memory_space<vmem>> -> memref<1x80xi32, #tpu.memory_space<vmem>>
    %dma_start3A_36 = tpu.memref_squeeze %dma_start3A_35 : memref<1x80xi32, #tpu.memory_space<vmem>> -> memref<80xi32, #tpu.memory_space<vmem>>
    %dma_start3A_37 = arith.constant 0 : i32
    %dma_start3A_38 = arith.constant 0 : i32
    %dma_start3A_39 = tpu.memref_slice %arg2[%arg0, %dma_start3A_37, %dma_start3A_38] : memref<2x10000x128xf32, #tpu.memory_space<hbm>> -> memref<1x10000x128xf32, #tpu.memory_space<hbm>>
    %dma_start3A_40 = tpu.memref_squeeze %dma_start3A_39 : memref<1x10000x128xf32, #tpu.memory_space<hbm>> -> memref<10000x128xf32, #tpu.memory_space<hbm>>
    %dma_start3A_41 = arith.constant 0 : i32
    %dma_start3A_42 = arith.constant 0 : i32
    %dma_start3A_43 = tpu.memref_slice %dma_start3A_40[%dma_start3A_41, %dma_start3A_42] : memref<10000x128xf32, #tpu.memory_space<hbm>> -> memref<10000x128xf32, #tpu.memory_space<hbm>>
    tpu.enqueue_indirect_dma source(%dma_start3A_43 : memref<10000x128xf32, #tpu.memory_space<hbm>>) target(%arg10 : memref<80x128xf32, #tpu.memory_space<vmem>>) offsets(%dma_start3A_36 : memref<80xi32, #tpu.memory_space<vmem>>) semaphore(%arg14 : memref<!tpu.dma_semaphore, #tpu.memory_space<semaphore_mem>>)
    %scan3A_44 = arith.constant 0 : i32
    %scan3A_45 = arith.constant 41 : i32
    %scan3A_46 = arith.addi %scan3A_44, %scan3A_45 : i32
    %scan3A_47 = arith.constant 1 : i32
    scf.for %scan3A_103 = %scan3A_44 to %scan3A_46 step %scan3A_47  : i32 {
      %mul3A_104 = arith.constant 1 : i32
      %mul3A_105 = arith.muli %scan3A_103, %mul3A_104 : i32
      %add3A_106 = arith.constant 0 : i32
      %add3A_107 = arith.addi %add3A_106, %mul3A_105 : i32
      %mul3A_108 = arith.constant 3 : i32
      %mul3A_109 = arith.muli %mul3A_108, %add3A_107 : i32
      %add3A_110 = arith.constant 0 : i32
      %add3A_111 = arith.addi %mul3A_109, %add3A_110 : i32
      %dma_wait3A_112 = arith.constant 0 : i32
      %dma_wait3A_113 = tpu.memref_slice %arg6[%add3A_111, %dma_wait3A_112] : memref<125x80xi32, #tpu.memory_space<vmem>> -> memref<1x80xi32, #tpu.memory_space<vmem>>
      %dma_wait3A_114 = tpu.memref_squeeze %dma_wait3A_113 : memref<1x80xi32, #tpu.memory_space<vmem>> -> memref<80xi32, #tpu.memory_space<vmem>>
      %dma_wait3A_115 = arith.constant 0 : i32
      %dma_wait3A_116 = arith.constant 0 : i32
      %dma_wait3A_117 = tpu.memref_slice %arg2[%arg0, %dma_wait3A_115, %dma_wait3A_116] : memref<2x10000x128xf32, #tpu.memory_space<hbm>> -> memref<1x10000x128xf32, #tpu.memory_space<hbm>>
      %dma_wait3A_118 = tpu.memref_squeeze %dma_wait3A_117 : memref<1x10000x128xf32, #tpu.memory_space<hbm>> -> memref<10000x128xf32, #tpu.memory_space<hbm>>
      %dma_wait3A_119 = arith.constant 0 : i32
      %dma_wait3A_120 = arith.constant 0 : i32
      %dma_wait3A_121 = tpu.memref_slice %dma_wait3A_118[%dma_wait3A_119, %dma_wait3A_120] : memref<10000x128xf32, #tpu.memory_space<hbm>> -> memref<10000x128xf32, #tpu.memory_space<hbm>>
      tpu.wait_indirect_dma semaphore(%arg12 : memref<!tpu.dma_semaphore, #tpu.memory_space<semaphore_mem>>) src(%dma_wait3A_121 : memref<10000x128xf32, #tpu.memory_space<hbm>>) dst(%arg8 : memref<80x128xf32, #tpu.memory_space<vmem>>)
      %dma_start3A_122 = arith.constant 0 : i32
      %dma_start3A_123 = tpu.memref_slice %arg7[%add3A_111, %dma_start3A_122] : memref<125x80xi32, #tpu.memory_space<vmem>> -> memref<1x80xi32, #tpu.memory_space<vmem>>
      %dma_start3A_124 = tpu.memref_squeeze %dma_start3A_123 : memref<1x80xi32, #tpu.memory_space<vmem>> -> memref<80xi32, #tpu.memory_space<vmem>>
      %dma_start3A_125 = arith.constant 0 : i32
      %dma_start3A_126 = arith.constant 0 : i32
      %dma_start3A_127 = tpu.memref_slice %arg11[%dma_start3A_125, %dma_start3A_126] : memref<10016x128xf32, #tpu.memory_space<vmem_shared>> -> memref<10016x128xf32, #tpu.memory_space<vmem_shared>>
      tpu.enqueue_indirect_dma source(%arg8 : memref<80x128xf32, #tpu.memory_space<vmem>>) target(%dma_start3A_127 : memref<10016x128xf32, #tpu.memory_space<vmem_shared>>) offsets(%dma_start3A_124 : memref<80xi32, #tpu.memory_space<vmem>>) semaphore(%arg15 : memref<!tpu.dma_semaphore, #tpu.memory_space<semaphore_mem>>) {add = true}
      %add3A_128 = arith.constant 1 : i32
      %add3A_129 = arith.addi %mul3A_109, %add3A_128 : i32
      %dma_wait3A_130 = arith.constant 0 : i32
      %dma_wait3A_131 = tpu.memref_slice %arg6[%add3A_129, %dma_wait3A_130] : memref<125x80xi32, #tpu.memory_space<vmem>> -> memref<1x80xi32, #tpu.memory_space<vmem>>
      %dma_wait3A_132 = tpu.memref_squeeze %dma_wait3A_131 : memref<1x80xi32, #tpu.memory_space<vmem>> -> memref<80xi32, #tpu.memory_space<vmem>>
      %dma_wait3A_133 = arith.constant 0 : i32
      %dma_wait3A_134 = arith.constant 0 : i32
      %dma_wait3A_135 = tpu.memref_slice %arg2[%arg0, %dma_wait3A_133, %dma_wait3A_134] : memref<2x10000x128xf32, #tpu.memory_space<hbm>> -> memref<1x10000x128xf32, #tpu.memory_space<hbm>>
      %dma_wait3A_136 = tpu.memref_squeeze %dma_wait3A_135 : memref<1x10000x128xf32, #tpu.memory_space<hbm>> -> memref<10000x128xf32, #tpu.memory_space<hbm>>
      %dma_wait3A_137 = arith.constant 0 : i32
      %dma_wait3A_138 = arith.constant 0 : i32
      %dma_wait3A_139 = tpu.memref_slice %dma_wait3A_136[%dma_wait3A_137, %dma_wait3A_138] : memref<10000x128xf32, #tpu.memory_space<hbm>> -> memref<10000x128xf32, #tpu.memory_space<hbm>>
      tpu.wait_indirect_dma semaphore(%arg13 : memref<!tpu.dma_semaphore, #tpu.memory_space<semaphore_mem>>) src(%dma_wait3A_139 : memref<10000x128xf32, #tpu.memory_space<hbm>>) dst(%arg9 : memref<80x128xf32, #tpu.memory_space<vmem>>)
      %dma_start3A_140 = arith.constant 0 : i32
      %dma_start3A_141 = tpu.memref_slice %arg7[%add3A_129, %dma_start3A_140] : memref<125x80xi32, #tpu.memory_space<vmem>> -> memref<1x80xi32, #tpu.memory_space<vmem>>
      %dma_start3A_142 = tpu.memref_squeeze %dma_start3A_141 : memref<1x80xi32, #tpu.memory_space<vmem>> -> memref<80xi32, #tpu.memory_space<vmem>>
      %dma_start3A_143 = arith.constant 0 : i32
      %dma_start3A_144 = arith.constant 0 : i32
      %dma_start3A_145 = tpu.memref_slice %arg11[%dma_start3A_143, %dma_start3A_144] : memref<10016x128xf32, #tpu.memory_space<vmem_shared>> -> memref<10016x128xf32, #tpu.memory_space<vmem_shared>>
      tpu.enqueue_indirect_dma source(%arg9 : memref<80x128xf32, #tpu.memory_space<vmem>>) target(%dma_start3A_145 : memref<10016x128xf32, #tpu.memory_space<vmem_shared>>) offsets(%dma_start3A_142 : memref<80xi32, #tpu.memory_space<vmem>>) semaphore(%arg16 : memref<!tpu.dma_semaphore, #tpu.memory_space<semaphore_mem>>) {add = true}
      %add3A_146 = arith.constant 2 : i32
      %add3A_147 = arith.addi %mul3A_109, %add3A_146 : i32
      %dma_wait3A_148 = arith.constant 0 : i32
      %dma_wait3A_149 = tpu.memref_slice %arg6[%add3A_147, %dma_wait3A_148] : memref<125x80xi32, #tpu.memory_space<vmem>> -> memref<1x80xi32, #tpu.memory_space<vmem>>
      %dma_wait3A_150 = tpu.memref_squeeze %dma_wait3A_149 : memref<1x80xi32, #tpu.memory_space<vmem>> -> memref<80xi32, #tpu.memory_space<vmem>>
      %dma_wait3A_151 = arith.constant 0 : i32
      %dma_wait3A_152 = arith.constant 0 : i32
      %dma_wait3A_153 = tpu.memref_slice %arg2[%arg0, %dma_wait3A_151, %dma_wait3A_152] : memref<2x10000x128xf32, #tpu.memory_space<hbm>> -> memref<1x10000x128xf32, #tpu.memory_space<hbm>>
      %dma_wait3A_154 = tpu.memref_squeeze %dma_wait3A_153 : memref<1x10000x128xf32, #tpu.memory_space<hbm>> -> memref<10000x128xf32, #tpu.memory_space<hbm>>
      %dma_wait3A_155 = arith.constant 0 : i32
      %dma_wait3A_156 = arith.constant 0 : i32
      %dma_wait3A_157 = tpu.memref_slice %dma_wait3A_154[%dma_wait3A_155, %dma_wait3A_156] : memref<10000x128xf32, #tpu.memory_space<hbm>> -> memref<10000x128xf32, #tpu.memory_space<hbm>>
      tpu.wait_indirect_dma semaphore(%arg14 : memref<!tpu.dma_semaphore, #tpu.memory_space<semaphore_mem>>) src(%dma_wait3A_157 : memref<10000x128xf32, #tpu.memory_space<hbm>>) dst(%arg10 : memref<80x128xf32, #tpu.memory_space<vmem>>)
      %dma_start3A_158 = arith.constant 0 : i32
      %dma_start3A_159 = tpu.memref_slice %arg7[%add3A_147, %dma_start3A_158] : memref<125x80xi32, #tpu.memory_space<vmem>> -> memref<1x80xi32, #tpu.memory_space<vmem>>
      %dma_start3A_160 = tpu.memref_squeeze %dma_start3A_159 : memref<1x80xi32, #tpu.memory_space<vmem>> -> memref<80xi32, #tpu.memory_space<vmem>>
      %dma_start3A_161 = arith.constant 0 : i32
      %dma_start3A_162 = arith.constant 0 : i32
      %dma_start3A_163 = tpu.memref_slice %arg11[%dma_start3A_161, %dma_start3A_162] : memref<10016x128xf32, #tpu.memory_space<vmem_shared>> -> memref<10016x128xf32, #tpu.memory_space<vmem_shared>>
      tpu.enqueue_indirect_dma source(%arg10 : memref<80x128xf32, #tpu.memory_space<vmem>>) target(%dma_start3A_163 : memref<10016x128xf32, #tpu.memory_space<vmem_shared>>) offsets(%dma_start3A_160 : memref<80xi32, #tpu.memory_space<vmem>>) semaphore(%arg17 : memref<!tpu.dma_semaphore, #tpu.memory_space<semaphore_mem>>) {add = true}
      %add3A_164 = arith.constant 0 : i32
      %add3A_165 = arith.addi %mul3A_109, %add3A_164 : i32
      %dma_wait3A_166 = arith.constant 0 : i32
      %dma_wait3A_167 = tpu.memref_slice %arg7[%add3A_165, %dma_wait3A_166] : memref<125x80xi32, #tpu.memory_space<vmem>> -> memref<1x80xi32, #tpu.memory_space<vmem>>
      %dma_wait3A_168 = tpu.memref_squeeze %dma_wait3A_167 : memref<1x80xi32, #tpu.memory_space<vmem>> -> memref<80xi32, #tpu.memory_space<vmem>>
      %dma_wait3A_169 = arith.constant 0 : i32
      %dma_wait3A_170 = arith.constant 0 : i32
      %dma_wait3A_171 = tpu.memref_slice %arg11[%dma_wait3A_169, %dma_wait3A_170] : memref<10016x128xf32, #tpu.memory_space<vmem_shared>> -> memref<10016x128xf32, #tpu.memory_space<vmem_shared>>
      tpu.wait_indirect_dma semaphore(%arg15 : memref<!tpu.dma_semaphore, #tpu.memory_space<semaphore_mem>>) src(%arg8 : memref<80x128xf32, #tpu.memory_space<vmem>>) dst(%dma_wait3A_171 : memref<10016x128xf32, #tpu.memory_space<vmem_shared>>)
      %add3A_172 = arith.constant 3 : i32
      %add3A_173 = arith.addi %add3A_165, %add3A_172 : i32
      %lt3A = arith.constant 125 : i32
      %lt3A_174 = arith.cmpi slt, %add3A_173, %lt3A : i32
      %convert_element_type3A = arith.extui %lt3A_174 : i1 to i32
      %cond3A = arith.constant 0 : i32
      %cond3A_175 = arith.cmpi ne, %convert_element_type3A, %cond3A : i32
      scf.if %cond3A_175 {
        %add3A_206 = arith.constant 3 : i32
        %add3A_207 = arith.addi %add3A_165, %add3A_206 : i32
        %dma_start3A_208 = arith.constant 0 : i32
        %dma_start3A_209 = tpu.memref_slice %arg6[%add3A_207, %dma_start3A_208] : memref<125x80xi32, #tpu.memory_space<vmem>> -> memref<1x80xi32, #tpu.memory_space<vmem>>
        %dma_start3A_210 = tpu.memref_squeeze %dma_start3A_209 : memref<1x80xi32, #tpu.memory_space<vmem>> -> memref<80xi32, #tpu.memory_space<vmem>>
        %dma_start3A_211 = arith.constant 0 : i32
        %dma_start3A_212 = arith.constant 0 : i32
        %dma_start3A_213 = tpu.memref_slice %arg2[%arg0, %dma_start3A_211, %dma_start3A_212] : memref<2x10000x128xf32, #tpu.memory_space<hbm>> -> memref<1x10000x128xf32, #tpu.memory_space<hbm>>
        %dma_start3A_214 = tpu.memref_squeeze %dma_start3A_213 : memref<1x10000x128xf32, #tpu.memory_space<hbm>> -> memref<10000x128xf32, #tpu.memory_space<hbm>>
        %dma_start3A_215 = arith.constant 0 : i32
        %dma_start3A_216 = arith.constant 0 : i32
        %dma_start3A_217 = tpu.memref_slice %dma_start3A_214[%dma_start3A_215, %dma_start3A_216] : memref<10000x128xf32, #tpu.memory_space<hbm>> -> memref<10000x128xf32, #tpu.memory_space<hbm>>
        tpu.enqueue_indirect_dma source(%dma_start3A_217 : memref<10000x128xf32, #tpu.memory_space<hbm>>) target(%arg8 : memref<80x128xf32, #tpu.memory_space<vmem>>) offsets(%dma_start3A_210 : memref<80xi32, #tpu.memory_space<vmem>>) semaphore(%arg12 : memref<!tpu.dma_semaphore, #tpu.memory_space<semaphore_mem>>)
      } else {
      }
      %add3A_176 = arith.constant 1 : i32
      %add3A_177 = arith.addi %mul3A_109, %add3A_176 : i32
      %dma_wait3A_178 = arith.constant 0 : i32
      %dma_wait3A_179 = tpu.memref_slice %arg7[%add3A_177, %dma_wait3A_178] : memref<125x80xi32, #tpu.memory_space<vmem>> -> memref<1x80xi32, #tpu.memory_space<vmem>>
      %dma_wait3A_180 = tpu.memref_squeeze %dma_wait3A_179 : memref<1x80xi32, #tpu.memory_space<vmem>> -> memref<80xi32, #tpu.memory_space<vmem>>
      %dma_wait3A_181 = arith.constant 0 : i32
      %dma_wait3A_182 = arith.constant 0 : i32
      %dma_wait3A_183 = tpu.memref_slice %arg11[%dma_wait3A_181, %dma_wait3A_182] : memref<10016x128xf32, #tpu.memory_space<vmem_shared>> -> memref<10016x128xf32, #tpu.memory_space<vmem_shared>>
      tpu.wait_indirect_dma semaphore(%arg16 : memref<!tpu.dma_semaphore, #tpu.memory_space<semaphore_mem>>) src(%arg9 : memref<80x128xf32, #tpu.memory_space<vmem>>) dst(%dma_wait3A_183 : memref<10016x128xf32, #tpu.memory_space<vmem_shared>>)
      %add3A_184 = arith.constant 3 : i32
      %add3A_185 = arith.addi %add3A_177, %add3A_184 : i32
      %lt3A_186 = arith.constant 125 : i32
      %lt3A_187 = arith.cmpi slt, %add3A_185, %lt3A_186 : i32
      %convert_element_type3A_188 = arith.extui %lt3A_187 : i1 to i32
      %cond3A_189 = arith.constant 0 : i32
      %cond3A_190 = arith.cmpi ne, %convert_element_type3A_188, %cond3A_189 : i32
      scf.if %cond3A_190 {
        %add3A_206 = arith.constant 3 : i32
        %add3A_207 = arith.addi %add3A_177, %add3A_206 : i32
        %dma_start3A_208 = arith.constant 0 : i32
        %dma_start3A_209 = tpu.memref_slice %arg6[%add3A_207, %dma_start3A_208] : memref<125x80xi32, #tpu.memory_space<vmem>> -> memref<1x80xi32, #tpu.memory_space<vmem>>
        %dma_start3A_210 = tpu.memref_squeeze %dma_start3A_209 : memref<1x80xi32, #tpu.memory_space<vmem>> -> memref<80xi32, #tpu.memory_space<vmem>>
        %dma_start3A_211 = arith.constant 0 : i32
        %dma_start3A_212 = arith.constant 0 : i32
        %dma_start3A_213 = tpu.memref_slice %arg2[%arg0, %dma_start3A_211, %dma_start3A_212] : memref<2x10000x128xf32, #tpu.memory_space<hbm>> -> memref<1x10000x128xf32, #tpu.memory_space<hbm>>
        %dma_start3A_214 = tpu.memref_squeeze %dma_start3A_213 : memref<1x10000x128xf32, #tpu.memory_space<hbm>> -> memref<10000x128xf32, #tpu.memory_space<hbm>>
        %dma_start3A_215 = arith.constant 0 : i32
        %dma_start3A_216 = arith.constant 0 : i32
        %dma_start3A_217 = tpu.memref_slice %dma_start3A_214[%dma_start3A_215, %dma_start3A_216] : memref<10000x128xf32, #tpu.memory_space<hbm>> -> memref<10000x128xf32, #tpu.memory_space<hbm>>
        tpu.enqueue_indirect_dma source(%dma_start3A_217 : memref<10000x128xf32, #tpu.memory_space<hbm>>) target(%arg9 : memref<80x128xf32, #tpu.memory_space<vmem>>) offsets(%dma_start3A_210 : memref<80xi32, #tpu.memory_space<vmem>>) semaphore(%arg13 : memref<!tpu.dma_semaphore, #tpu.memory_space<semaphore_mem>>)
      } else {
      }
      %add3A_191 = arith.constant 2 : i32
      %add3A_192 = arith.addi %mul3A_109, %add3A_191 : i32
      %dma_wait3A_193 = arith.constant 0 : i32
      %dma_wait3A_194 = tpu.memref_slice %arg7[%add3A_192, %dma_wait3A_193] : memref<125x80xi32, #tpu.memory_space<vmem>> -> memref<1x80xi32, #tpu.memory_space<vmem>>
      %dma_wait3A_195 = tpu.memref_squeeze %dma_wait3A_194 : memref<1x80xi32, #tpu.memory_space<vmem>> -> memref<80xi32, #tpu.memory_space<vmem>>
      %dma_wait3A_196 = arith.constant 0 : i32
      %dma_wait3A_197 = arith.constant 0 : i32
      %dma_wait3A_198 = tpu.memref_slice %arg11[%dma_wait3A_196, %dma_wait3A_197] : memref<10016x128xf32, #tpu.memory_space<vmem_shared>> -> memref<10016x128xf32, #tpu.memory_space<vmem_shared>>
      tpu.wait_indirect_dma semaphore(%arg17 : memref<!tpu.dma_semaphore, #tpu.memory_space<semaphore_mem>>) src(%arg10 : memref<80x128xf32, #tpu.memory_space<vmem>>) dst(%dma_wait3A_198 : memref<10016x128xf32, #tpu.memory_space<vmem_shared>>)
      %add3A_199 = arith.constant 3 : i32
      %add3A_200 = arith.addi %add3A_192, %add3A_199 : i32
      %lt3A_201 = arith.constant 125 : i32
      %lt3A_202 = arith.cmpi slt, %add3A_200, %lt3A_201 : i32
      %convert_element_type3A_203 = arith.extui %lt3A_202 : i1 to i32
      %cond3A_204 = arith.constant 0 : i32
      %cond3A_205 = arith.cmpi ne, %convert_element_type3A_203, %cond3A_204 : i32
      scf.if %cond3A_205 {
        %add3A_206 = arith.constant 3 : i32
        %add3A_207 = arith.addi %add3A_192, %add3A_206 : i32
        %dma_start3A_208 = arith.constant 0 : i32
        %dma_start3A_209 = tpu.memref_slice %arg6[%add3A_207, %dma_start3A_208] : memref<125x80xi32, #tpu.memory_space<vmem>> -> memref<1x80xi32, #tpu.memory_space<vmem>>
        %dma_start3A_210 = tpu.memref_squeeze %dma_start3A_209 : memref<1x80xi32, #tpu.memory_space<vmem>> -> memref<80xi32, #tpu.memory_space<vmem>>
        %dma_start3A_211 = arith.constant 0 : i32
        %dma_start3A_212 = arith.constant 0 : i32
        %dma_start3A_213 = tpu.memref_slice %arg2[%arg0, %dma_start3A_211, %dma_start3A_212] : memref<2x10000x128xf32, #tpu.memory_space<hbm>> -> memref<1x10000x128xf32, #tpu.memory_space<hbm>>
        %dma_start3A_214 = tpu.memref_squeeze %dma_start3A_213 : memref<1x10000x128xf32, #tpu.memory_space<hbm>> -> memref<10000x128xf32, #tpu.memory_space<hbm>>
        %dma_start3A_215 = arith.constant 0 : i32
        %dma_start3A_216 = arith.constant 0 : i32
        %dma_start3A_217 = tpu.memref_slice %dma_start3A_214[%dma_start3A_215, %dma_start3A_216] : memref<10000x128xf32, #tpu.memory_space<hbm>> -> memref<10000x128xf32, #tpu.memory_space<hbm>>
        tpu.enqueue_indirect_dma source(%dma_start3A_217 : memref<10000x128xf32, #tpu.memory_space<hbm>>) target(%arg10 : memref<80x128xf32, #tpu.memory_space<vmem>>) offsets(%dma_start3A_210 : memref<80xi32, #tpu.memory_space<vmem>>) semaphore(%arg14 : memref<!tpu.dma_semaphore, #tpu.memory_space<semaphore_mem>>)
      } else {
      }
    }
    %scan3A_48 = arith.constant 41 : i32
    %dma_wait3A = arith.constant 123 : i32
    %dma_wait3A_49 = arith.constant 0 : i32
    %dma_wait3A_50 = tpu.memref_slice %arg6[%dma_wait3A, %dma_wait3A_49] : memref<125x80xi32, #tpu.memory_space<vmem>> -> memref<1x80xi32, #tpu.memory_space<vmem>>
    %dma_wait3A_51 = tpu.memref_squeeze %dma_wait3A_50 : memref<1x80xi32, #tpu.memory_space<vmem>> -> memref<80xi32, #tpu.memory_space<vmem>>
    %dma_wait3A_52 = arith.constant 0 : i32
    %dma_wait3A_53 = arith.constant 0 : i32
    %dma_wait3A_54 = tpu.memref_slice %arg2[%arg0, %dma_wait3A_52, %dma_wait3A_53] : memref<2x10000x128xf32, #tpu.memory_space<hbm>> -> memref<1x10000x128xf32, #tpu.memory_space<hbm>>
    %dma_wait3A_55 = tpu.memref_squeeze %dma_wait3A_54 : memref<1x10000x128xf32, #tpu.memory_space<hbm>> -> memref<10000x128xf32, #tpu.memory_space<hbm>>
    %dma_wait3A_56 = arith.constant 0 : i32
    %dma_wait3A_57 = arith.constant 0 : i32
    %dma_wait3A_58 = tpu.memref_slice %dma_wait3A_55[%dma_wait3A_56, %dma_wait3A_57] : memref<10000x128xf32, #tpu.memory_space<hbm>> -> memref<10000x128xf32, #tpu.memory_space<hbm>>
    tpu.wait_indirect_dma semaphore(%arg12 : memref<!tpu.dma_semaphore, #tpu.memory_space<semaphore_mem>>) src(%dma_wait3A_58 : memref<10000x128xf32, #tpu.memory_space<hbm>>) dst(%arg8 : memref<80x128xf32, #tpu.memory_space<vmem>>)
    %dma_start3A_59 = arith.constant 123 : i32
    %dma_start3A_60 = arith.constant 0 : i32
    %dma_start3A_61 = tpu.memref_slice %arg7[%dma_start3A_59, %dma_start3A_60] : memref<125x80xi32, #tpu.memory_space<vmem>> -> memref<1x80xi32, #tpu.memory_space<vmem>>
    %dma_start3A_62 = tpu.memref_squeeze %dma_start3A_61 : memref<1x80xi32, #tpu.memory_space<vmem>> -> memref<80xi32, #tpu.memory_space<vmem>>
    %dma_start3A_63 = arith.constant 0 : i32
    %dma_start3A_64 = arith.constant 0 : i32
    %dma_start3A_65 = tpu.memref_slice %arg11[%dma_start3A_63, %dma_start3A_64] : memref<10016x128xf32, #tpu.memory_space<vmem_shared>> -> memref<10016x128xf32, #tpu.memory_space<vmem_shared>>
    tpu.enqueue_indirect_dma source(%arg8 : memref<80x128xf32, #tpu.memory_space<vmem>>) target(%dma_start3A_65 : memref<10016x128xf32, #tpu.memory_space<vmem_shared>>) offsets(%dma_start3A_62 : memref<80xi32, #tpu.memory_space<vmem>>) semaphore(%arg15 : memref<!tpu.dma_semaphore, #tpu.memory_space<semaphore_mem>>) {add = true}
    %dma_wait3A_66 = arith.constant 124 : i32
    %dma_wait3A_67 = arith.constant 0 : i32
    %dma_wait3A_68 = tpu.memref_slice %arg6[%dma_wait3A_66, %dma_wait3A_67] : memref<125x80xi32, #tpu.memory_space<vmem>> -> memref<1x80xi32, #tpu.memory_space<vmem>>
    %dma_wait3A_69 = tpu.memref_squeeze %dma_wait3A_68 : memref<1x80xi32, #tpu.memory_space<vmem>> -> memref<80xi32, #tpu.memory_space<vmem>>
    %dma_wait3A_70 = arith.constant 0 : i32
    %dma_wait3A_71 = arith.constant 0 : i32
    %dma_wait3A_72 = tpu.memref_slice %arg2[%arg0, %dma_wait3A_70, %dma_wait3A_71] : memref<2x10000x128xf32, #tpu.memory_space<hbm>> -> memref<1x10000x128xf32, #tpu.memory_space<hbm>>
    %dma_wait3A_73 = tpu.memref_squeeze %dma_wait3A_72 : memref<1x10000x128xf32, #tpu.memory_space<hbm>> -> memref<10000x128xf32, #tpu.memory_space<hbm>>
    %dma_wait3A_74 = arith.constant 0 : i32
    %dma_wait3A_75 = arith.constant 0 : i32
    %dma_wait3A_76 = tpu.memref_slice %dma_wait3A_73[%dma_wait3A_74, %dma_wait3A_75] : memref<10000x128xf32, #tpu.memory_space<hbm>> -> memref<10000x128xf32, #tpu.memory_space<hbm>>
    tpu.wait_indirect_dma semaphore(%arg13 : memref<!tpu.dma_semaphore, #tpu.memory_space<semaphore_mem>>) src(%dma_wait3A_76 : memref<10000x128xf32, #tpu.memory_space<hbm>>) dst(%arg9 : memref<80x128xf32, #tpu.memory_space<vmem>>)
    %dma_start3A_77 = arith.constant 124 : i32
    %dma_start3A_78 = arith.constant 0 : i32
    %dma_start3A_79 = tpu.memref_slice %arg7[%dma_start3A_77, %dma_start3A_78] : memref<125x80xi32, #tpu.memory_space<vmem>> -> memref<1x80xi32, #tpu.memory_space<vmem>>
    %dma_start3A_80 = tpu.memref_squeeze %dma_start3A_79 : memref<1x80xi32, #tpu.memory_space<vmem>> -> memref<80xi32, #tpu.memory_space<vmem>>
    %dma_start3A_81 = arith.constant 0 : i32
    %dma_start3A_82 = arith.constant 0 : i32
    %dma_start3A_83 = tpu.memref_slice %arg11[%dma_start3A_81, %dma_start3A_82] : memref<10016x128xf32, #tpu.memory_space<vmem_shared>> -> memref<10016x128xf32, #tpu.memory_space<vmem_shared>>
    tpu.enqueue_indirect_dma source(%arg9 : memref<80x128xf32, #tpu.memory_space<vmem>>) target(%dma_start3A_83 : memref<10016x128xf32, #tpu.memory_space<vmem_shared>>) offsets(%dma_start3A_80 : memref<80xi32, #tpu.memory_space<vmem>>) semaphore(%arg16 : memref<!tpu.dma_semaphore, #tpu.memory_space<semaphore_mem>>) {add = true}
    %dma_wait3A_84 = arith.constant 123 : i32
    %dma_wait3A_85 = arith.constant 0 : i32
    %dma_wait3A_86 = tpu.memref_slice %arg7[%dma_wait3A_84, %dma_wait3A_85] : memref<125x80xi32, #tpu.memory_space<vmem>> -> memref<1x80xi32, #tpu.memory_space<vmem>>
    %dma_wait3A_87 = tpu.memref_squeeze %dma_wait3A_86 : memref<1x80xi32, #tpu.memory_space<vmem>> -> memref<80xi32, #tpu.memory_space<vmem>>
    %dma_wait3A_88 = arith.constant 0 : i32
    %dma_wait3A_89 = arith.constant 0 : i32
    %dma_wait3A_90 = tpu.memref_slice %arg11[%dma_wait3A_88, %dma_wait3A_89] : memref<10016x128xf32, #tpu.memory_space<vmem_shared>> -> memref<10016x128xf32, #tpu.memory_space<vmem_shared>>
    tpu.wait_indirect_dma semaphore(%arg15 : memref<!tpu.dma_semaphore, #tpu.memory_space<semaphore_mem>>) src(%arg8 : memref<80x128xf32, #tpu.memory_space<vmem>>) dst(%dma_wait3A_90 : memref<10016x128xf32, #tpu.memory_space<vmem_shared>>)
    %dma_wait3A_91 = arith.constant 124 : i32
    %dma_wait3A_92 = arith.constant 0 : i32
    %dma_wait3A_93 = tpu.memref_slice %arg7[%dma_wait3A_91, %dma_wait3A_92] : memref<125x80xi32, #tpu.memory_space<vmem>> -> memref<1x80xi32, #tpu.memory_space<vmem>>
    %dma_wait3A_94 = tpu.memref_squeeze %dma_wait3A_93 : memref<1x80xi32, #tpu.memory_space<vmem>> -> memref<80xi32, #tpu.memory_space<vmem>>
    %dma_wait3A_95 = arith.constant 0 : i32
    %dma_wait3A_96 = arith.constant 0 : i32
    %dma_wait3A_97 = tpu.memref_slice %arg11[%dma_wait3A_95, %dma_wait3A_96] : memref<10016x128xf32, #tpu.memory_space<vmem_shared>> -> memref<10016x128xf32, #tpu.memory_space<vmem_shared>>
    tpu.wait_indirect_dma semaphore(%arg16 : memref<!tpu.dma_semaphore, #tpu.memory_space<semaphore_mem>>) src(%arg9 : memref<80x128xf32, #tpu.memory_space<vmem>>) dst(%dma_wait3A_97 : memref<10016x128xf32, #tpu.memory_space<vmem_shared>>)
    %barrier3A_98 = arith.constant 0 : index
    tpu.barrier barrier_id(%barrier3A_98)
    %mul3A_99 = arith.constant 625 : i32
    %mul3A_100 = arith.muli %arg1, %mul3A_99 : i32
    %mul3A_101 = arith.constant 625 : i32
    %mul3A_102 = arith.muli %arg1, %mul3A_101 : i32
    "tpu.region"() ({
      %run_scoped3A = tpu.sem_alloc : memref<!tpu.dma_semaphore, #tpu.memory_space<semaphore_mem>>
      %dma_start3A_103 = arith.constant 0 : i32
      %dma_start3A_104 = arith.constant 0 : i32
      %dma_start3A_105 = tpu.memref_slice %arg5[%arg0, %dma_start3A_103, %dma_start3A_104] : memref<2x10000x128xf32, #tpu.memory_space<hbm>> -> memref<1x10000x128xf32, #tpu.memory_space<hbm>>
      %dma_start3A_106 = tpu.memref_squeeze %dma_start3A_105 : memref<1x10000x128xf32, #tpu.memory_space<hbm>> -> memref<10000x128xf32, #tpu.memory_space<hbm>>
      %dma_start3A_107 = arith.constant 0 : i32
      %dma_start3A_108 = tpu.memref_slice %dma_start3A_106[%mul3A_102, %dma_start3A_107] : memref<10000x128xf32, #tpu.memory_space<hbm>> -> memref<625x128xf32, #tpu.memory_space<hbm>>
      %dma_start3A_109 = arith.constant 0 : i32
      %dma_start3A_110 = tpu.memref_slice %arg11[%mul3A_100, %dma_start3A_109] : memref<10016x128xf32, #tpu.memory_space<vmem_shared>> -> memref<625x128xf32, #tpu.memory_space<vmem_shared>>
      tpu.enqueue_dma source(%dma_start3A_110 : memref<625x128xf32, #tpu.memory_space<vmem_shared>>) target(%dma_start3A_108 : memref<625x128xf32, #tpu.memory_space<hbm>>) target_semaphore(%run_scoped3A : memref<!tpu.dma_semaphore, #tpu.memory_space<semaphore_mem>>)
      %dma_wait3A_111 = arith.constant 0 : i32
      %dma_wait3A_112 = arith.constant 0 : i32
      %dma_wait3A_113 = tpu.memref_slice %arg5[%arg0, %dma_wait3A_111, %dma_wait3A_112] : memref<2x10000x128xf32, #tpu.memory_space<hbm>> -> memref<1x10000x128xf32, #tpu.memory_space<hbm>>
      %dma_wait3A_114 = tpu.memref_squeeze %dma_wait3A_113 : memref<1x10000x128xf32, #tpu.memory_space<hbm>> -> memref<10000x128xf32, #tpu.memory_space<hbm>>
      %dma_wait3A_115 = arith.constant 0 : i32
      %dma_wait3A_116 = tpu.memref_slice %dma_wait3A_114[%mul3A_102, %dma_wait3A_115] : memref<10000x128xf32, #tpu.memory_space<hbm>> -> memref<625x128xf32, #tpu.memory_space<hbm>>
      %dma_wait3A_117 = arith.constant 0 : i32
      %dma_wait3A_118 = tpu.memref_slice %arg11[%mul3A_100, %dma_wait3A_117] : memref<10016x128xf32, #tpu.memory_space<vmem_shared>> -> memref<625x128xf32, #tpu.memory_space<vmem_shared>>
      tpu.wait_dma2 semaphore(%run_scoped3A : memref<!tpu.dma_semaphore, #tpu.memory_space<semaphore_mem>>) src(%dma_wait3A_118 : memref<625x128xf32, #tpu.memory_space<vmem_shared>>) dst(%dma_wait3A_116 : memref<625x128xf32, #tpu.memory_space<hbm>>)
      tpu.yield
    }) : () -> ()
    return
  }
}

#map = affine_map<(d0, d1) -> (0, 0)>
#map1 = affine_map<(d0, d1) -> (0, 0, 0)>
module attributes {stable_mosaic.version = 14 : i64} {
  func.func @agg_kernel(%arg0: i32, %arg1: i32, %arg2: memref<10000x128xf32, #tpu.memory_space<hbm>>, %arg3: memref<32x50x100xi32, #tpu.memory_space<hbm>>, %arg4: memref<32x50x100xi32, #tpu.memory_space<hbm>>, %arg5: memref<2x10000x128xf32, #tpu.memory_space<hbm>>, %arg6: memref<50x100xi32, #tpu.memory_space<vmem>>, %arg7: memref<50x100xi32, #tpu.memory_space<vmem>>, %arg8: memref<100x128xf32, #tpu.memory_space<vmem>>, %arg9: memref<100x128xf32, #tpu.memory_space<vmem>>, %arg10: memref<100x128xf32, #tpu.memory_space<vmem>>, %arg11: memref<10016x128xf32, #tpu.memory_space<vmem_shared>>, %arg12: memref<!tpu.dma_semaphore, #tpu.memory_space<semaphore_mem>>, %arg13: memref<!tpu.dma_semaphore, #tpu.memory_space<semaphore_mem>>, %arg14: memref<!tpu.dma_semaphore, #tpu.memory_space<semaphore_mem>>, %arg15: memref<!tpu.dma_semaphore, #tpu.memory_space<semaphore_mem>>, %arg16: memref<!tpu.dma_semaphore, #tpu.memory_space<semaphore_mem>>, %arg17: memref<!tpu.dma_semaphore, #tpu.memory_space<semaphore_mem>>) attributes {dimension_semantics = [#tpu.dimension_semantics<core_parallel>, #tpu.dimension_semantics<subcore_parallel>], iteration_bounds = array<i64: 2, 16>, scalar_prefetch = 0 : i64, scratch_operands = 12 : i64, tpu.core_type = #tpu.core_type<sc_vector_subcore>, window_params = [{transform_indices = #map}, {transform_indices = #map1}, {transform_indices = #map1}, {transform_indices = #map1}]} {
    %mul3A = arith.constant 16 : i32
    %mul3A_0 = arith.muli %arg0, %mul3A : i32
    %add3A = arith.addi %mul3A_0, %arg1 : i32
    "tpu.region"() ({
      %run_scoped3A = tpu.sem_alloc : memref<!tpu.dma_semaphore, #tpu.memory_space<semaphore_mem>>
      %dma_start3A_86 = arith.constant 0 : i32
      %dma_start3A_87 = arith.constant 0 : i32
      %dma_start3A_88 = tpu.memref_slice %arg3[%add3A, %dma_start3A_86, %dma_start3A_87] : memref<32x50x100xi32, #tpu.memory_space<hbm>> -> memref<1x50x100xi32, #tpu.memory_space<hbm>>
      %dma_start3A_89 = tpu.memref_squeeze %dma_start3A_88 : memref<1x50x100xi32, #tpu.memory_space<hbm>> -> memref<50x100xi32, #tpu.memory_space<hbm>>
      %dma_start3A_90 = arith.constant 0 : i32
      %dma_start3A_91 = arith.constant 0 : i32
      %dma_start3A_92 = tpu.memref_slice %arg3[%add3A, %dma_start3A_90, %dma_start3A_91] : memref<32x50x100xi32, #tpu.memory_space<hbm>> -> memref<1x50x100xi32, #tpu.memory_space<hbm>>
      %dma_start3A_93 = tpu.memref_squeeze %dma_start3A_92 : memref<1x50x100xi32, #tpu.memory_space<hbm>> -> memref<50x100xi32, #tpu.memory_space<hbm>>
      tpu.enqueue_dma source(%dma_start3A_93 : memref<50x100xi32, #tpu.memory_space<hbm>>) target(%arg6 : memref<50x100xi32, #tpu.memory_space<vmem>>) target_semaphore(%run_scoped3A : memref<!tpu.dma_semaphore, #tpu.memory_space<semaphore_mem>>)
      %dma_wait3A_94 = arith.constant 0 : i32
      %dma_wait3A_95 = arith.constant 0 : i32
      %dma_wait3A_96 = tpu.memref_slice %arg3[%add3A, %dma_wait3A_94, %dma_wait3A_95] : memref<32x50x100xi32, #tpu.memory_space<hbm>> -> memref<1x50x100xi32, #tpu.memory_space<hbm>>
      %dma_wait3A_97 = tpu.memref_squeeze %dma_wait3A_96 : memref<1x50x100xi32, #tpu.memory_space<hbm>> -> memref<50x100xi32, #tpu.memory_space<hbm>>
      %dma_wait3A_98 = arith.constant 0 : i32
      %dma_wait3A_99 = arith.constant 0 : i32
      %dma_wait3A_100 = tpu.memref_slice %arg3[%add3A, %dma_wait3A_98, %dma_wait3A_99] : memref<32x50x100xi32, #tpu.memory_space<hbm>> -> memref<1x50x100xi32, #tpu.memory_space<hbm>>
      %dma_wait3A_101 = tpu.memref_squeeze %dma_wait3A_100 : memref<1x50x100xi32, #tpu.memory_space<hbm>> -> memref<50x100xi32, #tpu.memory_space<hbm>>
      tpu.wait_dma2 semaphore(%run_scoped3A : memref<!tpu.dma_semaphore, #tpu.memory_space<semaphore_mem>>) src(%dma_wait3A_101 : memref<50x100xi32, #tpu.memory_space<hbm>>) dst(%arg6 : memref<50x100xi32, #tpu.memory_space<vmem>>)
      tpu.yield
    }) : () -> ()
    "tpu.region"() ({
      %run_scoped3A = tpu.sem_alloc : memref<!tpu.dma_semaphore, #tpu.memory_space<semaphore_mem>>
      %dma_start3A_86 = arith.constant 0 : i32
      %dma_start3A_87 = arith.constant 0 : i32
      %dma_start3A_88 = tpu.memref_slice %arg4[%add3A, %dma_start3A_86, %dma_start3A_87] : memref<32x50x100xi32, #tpu.memory_space<hbm>> -> memref<1x50x100xi32, #tpu.memory_space<hbm>>
      %dma_start3A_89 = tpu.memref_squeeze %dma_start3A_88 : memref<1x50x100xi32, #tpu.memory_space<hbm>> -> memref<50x100xi32, #tpu.memory_space<hbm>>
      %dma_start3A_90 = arith.constant 0 : i32
      %dma_start3A_91 = arith.constant 0 : i32
      %dma_start3A_92 = tpu.memref_slice %arg4[%add3A, %dma_start3A_90, %dma_start3A_91] : memref<32x50x100xi32, #tpu.memory_space<hbm>> -> memref<1x50x100xi32, #tpu.memory_space<hbm>>
      %dma_start3A_93 = tpu.memref_squeeze %dma_start3A_92 : memref<1x50x100xi32, #tpu.memory_space<hbm>> -> memref<50x100xi32, #tpu.memory_space<hbm>>
      tpu.enqueue_dma source(%dma_start3A_93 : memref<50x100xi32, #tpu.memory_space<hbm>>) target(%arg7 : memref<50x100xi32, #tpu.memory_space<vmem>>) target_semaphore(%run_scoped3A : memref<!tpu.dma_semaphore, #tpu.memory_space<semaphore_mem>>)
      %dma_wait3A_94 = arith.constant 0 : i32
      %dma_wait3A_95 = arith.constant 0 : i32
      %dma_wait3A_96 = tpu.memref_slice %arg4[%add3A, %dma_wait3A_94, %dma_wait3A_95] : memref<32x50x100xi32, #tpu.memory_space<hbm>> -> memref<1x50x100xi32, #tpu.memory_space<hbm>>
      %dma_wait3A_97 = tpu.memref_squeeze %dma_wait3A_96 : memref<1x50x100xi32, #tpu.memory_space<hbm>> -> memref<50x100xi32, #tpu.memory_space<hbm>>
      %dma_wait3A_98 = arith.constant 0 : i32
      %dma_wait3A_99 = arith.constant 0 : i32
      %dma_wait3A_100 = tpu.memref_slice %arg4[%add3A, %dma_wait3A_98, %dma_wait3A_99] : memref<32x50x100xi32, #tpu.memory_space<hbm>> -> memref<1x50x100xi32, #tpu.memory_space<hbm>>
      %dma_wait3A_101 = tpu.memref_squeeze %dma_wait3A_100 : memref<1x50x100xi32, #tpu.memory_space<hbm>> -> memref<50x100xi32, #tpu.memory_space<hbm>>
      tpu.wait_dma2 semaphore(%run_scoped3A : memref<!tpu.dma_semaphore, #tpu.memory_space<semaphore_mem>>) src(%dma_wait3A_101 : memref<50x100xi32, #tpu.memory_space<hbm>>) dst(%arg7 : memref<50x100xi32, #tpu.memory_space<vmem>>)
      tpu.yield
    }) : () -> ()
    %broadcast_in_dim3A = arith.constant 0.000000e+00 : f32
    %broadcast_in_dim3A_1 = vector.broadcast %broadcast_in_dim3A : f32 to vector<16xf32>
    %scan3A = arith.constant 0 : i32
    %scan3A_2 = arith.constant 100 : i32
    %scan3A_3 = arith.addi %scan3A, %scan3A_2 : i32
    %scan3A_4 = arith.constant 1 : i32
    scf.for %scan3A_86 = %scan3A to %scan3A_3 step %scan3A_4  : i32 {
      %mul3A_87 = arith.constant 1 : i32
      %mul3A_88 = arith.muli %scan3A_86, %mul3A_87 : i32
      %add3A_89 = arith.constant 0 : i32
      %add3A_90 = arith.addi %add3A_89, %mul3A_88 : i32
      %scan3A_91 = arith.constant 0 : i32
      %scan3A_92 = arith.constant 8 : i32
      %scan3A_93 = arith.addi %scan3A_91, %scan3A_92 : i32
      %scan3A_94 = arith.constant 1 : i32
      scf.for %scan3A_96 = %scan3A_91 to %scan3A_93 step %scan3A_94  : i32 {
        %mul3A_97 = arith.constant 1 : i32
        %mul3A_98 = arith.muli %scan3A_96, %mul3A_97 : i32
        %add3A_99 = arith.constant 0 : i32
        %add3A_100 = arith.addi %add3A_99, %mul3A_98 : i32
        %mul3A_101 = arith.constant 16 : i32
        %mul3A_102 = arith.muli %add3A_100, %mul3A_101 : i32
        %swap3A = arith.index_cast %add3A_90 : i32 to index
        %swap3A_103 = arith.index_cast %mul3A_102 : i32 to index
        %swap3A_104 = tpu.vector_load %arg8[%swap3A, %swap3A_103] {strides = array<i32>} : memref<100x128xf32, #tpu.memory_space<vmem>>, vector<1x16xf32>,
        %swap3A_105 = vector.shape_cast %swap3A_104 : vector<1x16xf32> to vector<16xf32>
        %swap3A_106 = vector.shape_cast %broadcast_in_dim3A_1 : vector<16xf32> to vector<1x16xf32>
        tpu.vector_store %arg8[%swap3A, %swap3A_103], %swap3A_106 {strides = array<i32>} : memref<100x128xf32, #tpu.memory_space<vmem>>, vector<1x16xf32>,
      }
      %scan3A_95 = arith.constant 8 : i32
    }
    %scan3A_5 = arith.constant 100 : i32
    %mul3A_6 = arith.constant 626 : i32
    %mul3A_7 = arith.muli %arg1, %mul3A_6 : i32
    %scan3A_8 = arith.constant 0 : i32
    %scan3A_9 = arith.constant 6 : i32
    %scan3A_10 = arith.addi %scan3A_8, %scan3A_9 : i32
    %scan3A_11 = arith.constant 1 : i32
    scf.for %scan3A_86 = %scan3A_8 to %scan3A_10 step %scan3A_11  : i32 {
      %mul3A_87 = arith.constant 1 : i32
      %mul3A_88 = arith.muli %scan3A_86, %mul3A_87 : i32
      %add3A_89 = arith.constant 0 : i32
      %add3A_90 = arith.addi %add3A_89, %mul3A_88 : i32
      %mul3A_91 = arith.constant 100 : i32
      %mul3A_92 = arith.muli %add3A_90, %mul3A_91 : i32
      %add3A_93 = arith.addi %mul3A_7, %mul3A_92 : i32
      "tpu.region"() ({
        %run_scoped3A = tpu.sem_alloc : memref<!tpu.dma_semaphore, #tpu.memory_space<semaphore_mem>>
        %dma_start3A_94 = arith.constant 0 : i32
        %dma_start3A_95 = tpu.memref_slice %arg11[%add3A_93, %dma_start3A_94] : memref<10016x128xf32, #tpu.memory_space<vmem_shared>> -> memref<100x128xf32, #tpu.memory_space<vmem_shared>>
        %dma_start3A_96 = arith.constant 0 : i32
        %dma_start3A_97 = tpu.memref_slice %arg11[%add3A_93, %dma_start3A_96] : memref<10016x128xf32, #tpu.memory_space<vmem_shared>> -> memref<100x128xf32, #tpu.memory_space<vmem_shared>>
        tpu.enqueue_dma source(%arg8 : memref<100x128xf32, #tpu.memory_space<vmem>>) target(%dma_start3A_97 : memref<100x128xf32, #tpu.memory_space<vmem_shared>>) target_semaphore(%run_scoped3A : memref<!tpu.dma_semaphore, #tpu.memory_space<semaphore_mem>>)
        %dma_wait3A_98 = arith.constant 0 : i32
        %dma_wait3A_99 = tpu.memref_slice %arg11[%add3A_93, %dma_wait3A_98] : memref<10016x128xf32, #tpu.memory_space<vmem_shared>> -> memref<100x128xf32, #tpu.memory_space<vmem_shared>>
        %dma_wait3A_100 = arith.constant 0 : i32
        %dma_wait3A_101 = tpu.memref_slice %arg11[%add3A_93, %dma_wait3A_100] : memref<10016x128xf32, #tpu.memory_space<vmem_shared>> -> memref<100x128xf32, #tpu.memory_space<vmem_shared>>
        tpu.wait_dma2 semaphore(%run_scoped3A : memref<!tpu.dma_semaphore, #tpu.memory_space<semaphore_mem>>) src(%arg8 : memref<100x128xf32, #tpu.memory_space<vmem>>) dst(%dma_wait3A_101 : memref<100x128xf32, #tpu.memory_space<vmem_shared>>)
        tpu.yield
      }) : () -> ()
    }
    %scan3A_12 = arith.constant 6 : i32
    %add3A_13 = arith.constant 600 : i32
    %add3A_14 = arith.addi %mul3A_7, %add3A_13 : i32
    "tpu.region"() ({
      %run_scoped3A = tpu.sem_alloc : memref<!tpu.dma_semaphore, #tpu.memory_space<semaphore_mem>>
      %dma_start3A_86 = arith.constant 0 : i32
      %dma_start3A_87 = arith.constant 0 : i32
      %dma_start3A_88 = tpu.memref_slice %arg8[%dma_start3A_86, %dma_start3A_87] : memref<100x128xf32, #tpu.memory_space<vmem>> -> memref<26x128xf32, #tpu.memory_space<vmem>>
      %dma_start3A_89 = arith.constant 0 : i32
      %dma_start3A_90 = tpu.memref_slice %arg11[%add3A_14, %dma_start3A_89] : memref<10016x128xf32, #tpu.memory_space<vmem_shared>> -> memref<26x128xf32, #tpu.memory_space<vmem_shared>>
      %dma_start3A_91 = arith.constant 0 : i32
      %dma_start3A_92 = tpu.memref_slice %arg11[%add3A_14, %dma_start3A_91] : memref<10016x128xf32, #tpu.memory_space<vmem_shared>> -> memref<26x128xf32, #tpu.memory_space<vmem_shared>>
      %dma_start3A_93 = arith.constant 0 : i32
      %dma_start3A_94 = arith.constant 0 : i32
      %dma_start3A_95 = tpu.memref_slice %arg8[%dma_start3A_93, %dma_start3A_94] : memref<100x128xf32, #tpu.memory_space<vmem>> -> memref<26x128xf32, #tpu.memory_space<vmem>>
      tpu.enqueue_dma source(%dma_start3A_95 : memref<26x128xf32, #tpu.memory_space<vmem>>) target(%dma_start3A_92 : memref<26x128xf32, #tpu.memory_space<vmem_shared>>) target_semaphore(%run_scoped3A : memref<!tpu.dma_semaphore, #tpu.memory_space<semaphore_mem>>)
      %dma_wait3A_96 = arith.constant 0 : i32
      %dma_wait3A_97 = arith.constant 0 : i32
      %dma_wait3A_98 = tpu.memref_slice %arg8[%dma_wait3A_96, %dma_wait3A_97] : memref<100x128xf32, #tpu.memory_space<vmem>> -> memref<26x128xf32, #tpu.memory_space<vmem>>
      %dma_wait3A_99 = arith.constant 0 : i32
      %dma_wait3A_100 = tpu.memref_slice %arg11[%add3A_14, %dma_wait3A_99] : memref<10016x128xf32, #tpu.memory_space<vmem_shared>> -> memref<26x128xf32, #tpu.memory_space<vmem_shared>>
      %dma_wait3A_101 = arith.constant 0 : i32
      %dma_wait3A_102 = tpu.memref_slice %arg11[%add3A_14, %dma_wait3A_101] : memref<10016x128xf32, #tpu.memory_space<vmem_shared>> -> memref<26x128xf32, #tpu.memory_space<vmem_shared>>
      %dma_wait3A_103 = arith.constant 0 : i32
      %dma_wait3A_104 = arith.constant 0 : i32
      %dma_wait3A_105 = tpu.memref_slice %arg8[%dma_wait3A_103, %dma_wait3A_104] : memref<100x128xf32, #tpu.memory_space<vmem>> -> memref<26x128xf32, #tpu.memory_space<vmem>>
      tpu.wait_dma2 semaphore(%run_scoped3A : memref<!tpu.dma_semaphore, #tpu.memory_space<semaphore_mem>>) src(%dma_wait3A_105 : memref<26x128xf32, #tpu.memory_space<vmem>>) dst(%dma_wait3A_102 : memref<26x128xf32, #tpu.memory_space<vmem_shared>>)
      tpu.yield
    }) : () -> ()
    %barrier3A = arith.constant 0 : index
    tpu.barrier barrier_id(%barrier3A)
    %dma_start3A = arith.constant 0 : i32
    %dma_start3A_15 = arith.constant 0 : i32
    %dma_start3A_16 = tpu.memref_slice %arg6[%dma_start3A, %dma_start3A_15] : memref<50x100xi32, #tpu.memory_space<vmem>> -> memref<1x100xi32, #tpu.memory_space<vmem>>
    %dma_start3A_17 = tpu.memref_squeeze %dma_start3A_16 : memref<1x100xi32, #tpu.memory_space<vmem>> -> memref<100xi32, #tpu.memory_space<vmem>>
    %dma_start3A_18 = arith.constant 0 : i32
    %dma_start3A_19 = arith.constant 0 : i32
    %dma_start3A_20 = tpu.memref_slice %arg2[%dma_start3A_18, %dma_start3A_19] : memref<10000x128xf32, #tpu.memory_space<hbm>> -> memref<10000x128xf32, #tpu.memory_space<hbm>>
    tpu.enqueue_indirect_dma source(%dma_start3A_20 : memref<10000x128xf32, #tpu.memory_space<hbm>>) target(%arg8 : memref<100x128xf32, #tpu.memory_space<vmem>>) offsets(%dma_start3A_17 : memref<100xi32, #tpu.memory_space<vmem>>) semaphore(%arg12 : memref<!tpu.dma_semaphore, #tpu.memory_space<semaphore_mem>>)
    %dma_start3A_21 = arith.constant 1 : i32
    %dma_start3A_22 = arith.constant 0 : i32
    %dma_start3A_23 = tpu.memref_slice %arg6[%dma_start3A_21, %dma_start3A_22] : memref<50x100xi32, #tpu.memory_space<vmem>> -> memref<1x100xi32, #tpu.memory_space<vmem>>
    %dma_start3A_24 = tpu.memref_squeeze %dma_start3A_23 : memref<1x100xi32, #tpu.memory_space<vmem>> -> memref<100xi32, #tpu.memory_space<vmem>>
    %dma_start3A_25 = arith.constant 0 : i32
    %dma_start3A_26 = arith.constant 0 : i32
    %dma_start3A_27 = tpu.memref_slice %arg2[%dma_start3A_25, %dma_start3A_26] : memref<10000x128xf32, #tpu.memory_space<hbm>> -> memref<10000x128xf32, #tpu.memory_space<hbm>>
    tpu.enqueue_indirect_dma source(%dma_start3A_27 : memref<10000x128xf32, #tpu.memory_space<hbm>>) target(%arg9 : memref<100x128xf32, #tpu.memory_space<vmem>>) offsets(%dma_start3A_24 : memref<100xi32, #tpu.memory_space<vmem>>) semaphore(%arg13 : memref<!tpu.dma_semaphore, #tpu.memory_space<semaphore_mem>>)
    %dma_start3A_28 = arith.constant 2 : i32
    %dma_start3A_29 = arith.constant 0 : i32
    %dma_start3A_30 = tpu.memref_slice %arg6[%dma_start3A_28, %dma_start3A_29] : memref<50x100xi32, #tpu.memory_space<vmem>> -> memref<1x100xi32, #tpu.memory_space<vmem>>
    %dma_start3A_31 = tpu.memref_squeeze %dma_start3A_30 : memref<1x100xi32, #tpu.memory_space<vmem>> -> memref<100xi32, #tpu.memory_space<vmem>>
    %dma_start3A_32 = arith.constant 0 : i32
    %dma_start3A_33 = arith.constant 0 : i32
    %dma_start3A_34 = tpu.memref_slice %arg2[%dma_start3A_32, %dma_start3A_33] : memref<10000x128xf32, #tpu.memory_space<hbm>> -> memref<10000x128xf32, #tpu.memory_space<hbm>>
    tpu.enqueue_indirect_dma source(%dma_start3A_34 : memref<10000x128xf32, #tpu.memory_space<hbm>>) target(%arg10 : memref<100x128xf32, #tpu.memory_space<vmem>>) offsets(%dma_start3A_31 : memref<100xi32, #tpu.memory_space<vmem>>) semaphore(%arg14 : memref<!tpu.dma_semaphore, #tpu.memory_space<semaphore_mem>>)
    %scan3A_35 = arith.constant 0 : i32
    %scan3A_36 = arith.constant 16 : i32
    %scan3A_37 = arith.addi %scan3A_35, %scan3A_36 : i32
    %scan3A_38 = arith.constant 1 : i32
    scf.for %scan3A_86 = %scan3A_35 to %scan3A_37 step %scan3A_38  : i32 {
      %mul3A_87 = arith.constant 1 : i32
      %mul3A_88 = arith.muli %scan3A_86, %mul3A_87 : i32
      %add3A_89 = arith.constant 0 : i32
      %add3A_90 = arith.addi %add3A_89, %mul3A_88 : i32
      %mul3A_91 = arith.constant 3 : i32
      %mul3A_92 = arith.muli %mul3A_91, %add3A_90 : i32
      %add3A_93 = arith.constant 0 : i32
      %add3A_94 = arith.addi %mul3A_92, %add3A_93 : i32
      %dma_wait3A_95 = arith.constant 0 : i32
      %dma_wait3A_96 = tpu.memref_slice %arg6[%add3A_94, %dma_wait3A_95] : memref<50x100xi32, #tpu.memory_space<vmem>> -> memref<1x100xi32, #tpu.memory_space<vmem>>
      %dma_wait3A_97 = tpu.memref_squeeze %dma_wait3A_96 : memref<1x100xi32, #tpu.memory_space<vmem>> -> memref<100xi32, #tpu.memory_space<vmem>>
      %dma_wait3A_98 = arith.constant 0 : i32
      %dma_wait3A_99 = arith.constant 0 : i32
      %dma_wait3A_100 = tpu.memref_slice %arg2[%dma_wait3A_98, %dma_wait3A_99] : memref<10000x128xf32, #tpu.memory_space<hbm>> -> memref<10000x128xf32, #tpu.memory_space<hbm>>
      tpu.wait_indirect_dma semaphore(%arg12 : memref<!tpu.dma_semaphore, #tpu.memory_space<semaphore_mem>>) src(%dma_wait3A_100 : memref<10000x128xf32, #tpu.memory_space<hbm>>) dst(%arg8 : memref<100x128xf32, #tpu.memory_space<vmem>>)
      %dma_start3A_101 = arith.constant 0 : i32
      %dma_start3A_102 = tpu.memref_slice %arg7[%add3A_94, %dma_start3A_101] : memref<50x100xi32, #tpu.memory_space<vmem>> -> memref<1x100xi32, #tpu.memory_space<vmem>>
      %dma_start3A_103 = tpu.memref_squeeze %dma_start3A_102 : memref<1x100xi32, #tpu.memory_space<vmem>> -> memref<100xi32, #tpu.memory_space<vmem>>
      %dma_start3A_104 = arith.constant 0 : i32
      %dma_start3A_105 = arith.constant 0 : i32
      %dma_start3A_106 = tpu.memref_slice %arg11[%dma_start3A_104, %dma_start3A_105] : memref<10016x128xf32, #tpu.memory_space<vmem_shared>> -> memref<10016x128xf32, #tpu.memory_space<vmem_shared>>
      tpu.enqueue_indirect_dma source(%arg8 : memref<100x128xf32, #tpu.memory_space<vmem>>) target(%dma_start3A_106 : memref<10016x128xf32, #tpu.memory_space<vmem_shared>>) offsets(%dma_start3A_103 : memref<100xi32, #tpu.memory_space<vmem>>) semaphore(%arg15 : memref<!tpu.dma_semaphore, #tpu.memory_space<semaphore_mem>>) {add = true}
      %add3A_107 = arith.constant 1 : i32
      %add3A_108 = arith.addi %mul3A_92, %add3A_107 : i32
      %dma_wait3A_109 = arith.constant 0 : i32
      %dma_wait3A_110 = tpu.memref_slice %arg6[%add3A_108, %dma_wait3A_109] : memref<50x100xi32, #tpu.memory_space<vmem>> -> memref<1x100xi32, #tpu.memory_space<vmem>>
      %dma_wait3A_111 = tpu.memref_squeeze %dma_wait3A_110 : memref<1x100xi32, #tpu.memory_space<vmem>> -> memref<100xi32, #tpu.memory_space<vmem>>
      %dma_wait3A_112 = arith.constant 0 : i32
      %dma_wait3A_113 = arith.constant 0 : i32
      %dma_wait3A_114 = tpu.memref_slice %arg2[%dma_wait3A_112, %dma_wait3A_113] : memref<10000x128xf32, #tpu.memory_space<hbm>> -> memref<10000x128xf32, #tpu.memory_space<hbm>>
      tpu.wait_indirect_dma semaphore(%arg13 : memref<!tpu.dma_semaphore, #tpu.memory_space<semaphore_mem>>) src(%dma_wait3A_114 : memref<10000x128xf32, #tpu.memory_space<hbm>>) dst(%arg9 : memref<100x128xf32, #tpu.memory_space<vmem>>)
      %dma_start3A_115 = arith.constant 0 : i32
      %dma_start3A_116 = tpu.memref_slice %arg7[%add3A_108, %dma_start3A_115] : memref<50x100xi32, #tpu.memory_space<vmem>> -> memref<1x100xi32, #tpu.memory_space<vmem>>
      %dma_start3A_117 = tpu.memref_squeeze %dma_start3A_116 : memref<1x100xi32, #tpu.memory_space<vmem>> -> memref<100xi32, #tpu.memory_space<vmem>>
      %dma_start3A_118 = arith.constant 0 : i32
      %dma_start3A_119 = arith.constant 0 : i32
      %dma_start3A_120 = tpu.memref_slice %arg11[%dma_start3A_118, %dma_start3A_119] : memref<10016x128xf32, #tpu.memory_space<vmem_shared>> -> memref<10016x128xf32, #tpu.memory_space<vmem_shared>>
      tpu.enqueue_indirect_dma source(%arg9 : memref<100x128xf32, #tpu.memory_space<vmem>>) target(%dma_start3A_120 : memref<10016x128xf32, #tpu.memory_space<vmem_shared>>) offsets(%dma_start3A_117 : memref<100xi32, #tpu.memory_space<vmem>>) semaphore(%arg16 : memref<!tpu.dma_semaphore, #tpu.memory_space<semaphore_mem>>) {add = true}
      %add3A_121 = arith.constant 2 : i32
      %add3A_122 = arith.addi %mul3A_92, %add3A_121 : i32
      %dma_wait3A_123 = arith.constant 0 : i32
      %dma_wait3A_124 = tpu.memref_slice %arg6[%add3A_122, %dma_wait3A_123] : memref<50x100xi32, #tpu.memory_space<vmem>> -> memref<1x100xi32, #tpu.memory_space<vmem>>
      %dma_wait3A_125 = tpu.memref_squeeze %dma_wait3A_124 : memref<1x100xi32, #tpu.memory_space<vmem>> -> memref<100xi32, #tpu.memory_space<vmem>>
      %dma_wait3A_126 = arith.constant 0 : i32
      %dma_wait3A_127 = arith.constant 0 : i32
      %dma_wait3A_128 = tpu.memref_slice %arg2[%dma_wait3A_126, %dma_wait3A_127] : memref<10000x128xf32, #tpu.memory_space<hbm>> -> memref<10000x128xf32, #tpu.memory_space<hbm>>
      tpu.wait_indirect_dma semaphore(%arg14 : memref<!tpu.dma_semaphore, #tpu.memory_space<semaphore_mem>>) src(%dma_wait3A_128 : memref<10000x128xf32, #tpu.memory_space<hbm>>) dst(%arg10 : memref<100x128xf32, #tpu.memory_space<vmem>>)
      %dma_start3A_129 = arith.constant 0 : i32
      %dma_start3A_130 = tpu.memref_slice %arg7[%add3A_122, %dma_start3A_129] : memref<50x100xi32, #tpu.memory_space<vmem>> -> memref<1x100xi32, #tpu.memory_space<vmem>>
      %dma_start3A_131 = tpu.memref_squeeze %dma_start3A_130 : memref<1x100xi32, #tpu.memory_space<vmem>> -> memref<100xi32, #tpu.memory_space<vmem>>
      %dma_start3A_132 = arith.constant 0 : i32
      %dma_start3A_133 = arith.constant 0 : i32
      %dma_start3A_134 = tpu.memref_slice %arg11[%dma_start3A_132, %dma_start3A_133] : memref<10016x128xf32, #tpu.memory_space<vmem_shared>> -> memref<10016x128xf32, #tpu.memory_space<vmem_shared>>
      tpu.enqueue_indirect_dma source(%arg10 : memref<100x128xf32, #tpu.memory_space<vmem>>) target(%dma_start3A_134 : memref<10016x128xf32, #tpu.memory_space<vmem_shared>>) offsets(%dma_start3A_131 : memref<100xi32, #tpu.memory_space<vmem>>) semaphore(%arg17 : memref<!tpu.dma_semaphore, #tpu.memory_space<semaphore_mem>>) {add = true}
      %add3A_135 = arith.constant 0 : i32
      %add3A_136 = arith.addi %mul3A_92, %add3A_135 : i32
      %dma_wait3A_137 = arith.constant 0 : i32
      %dma_wait3A_138 = tpu.memref_slice %arg7[%add3A_136, %dma_wait3A_137] : memref<50x100xi32, #tpu.memory_space<vmem>> -> memref<1x100xi32, #tpu.memory_space<vmem>>
      %dma_wait3A_139 = tpu.memref_squeeze %dma_wait3A_138 : memref<1x100xi32, #tpu.memory_space<vmem>> -> memref<100xi32, #tpu.memory_space<vmem>>
      %dma_wait3A_140 = arith.constant 0 : i32
      %dma_wait3A_141 = arith.constant 0 : i32
      %dma_wait3A_142 = tpu.memref_slice %arg11[%dma_wait3A_140, %dma_wait3A_141] : memref<10016x128xf32, #tpu.memory_space<vmem_shared>> -> memref<10016x128xf32, #tpu.memory_space<vmem_shared>>
      tpu.wait_indirect_dma semaphore(%arg15 : memref<!tpu.dma_semaphore, #tpu.memory_space<semaphore_mem>>) src(%arg8 : memref<100x128xf32, #tpu.memory_space<vmem>>) dst(%dma_wait3A_142 : memref<10016x128xf32, #tpu.memory_space<vmem_shared>>)
      %add3A_143 = arith.constant 3 : i32
      %add3A_144 = arith.addi %add3A_136, %add3A_143 : i32
      %lt3A = arith.constant 50 : i32
      %lt3A_145 = arith.cmpi slt, %add3A_144, %lt3A : i32
      %convert_element_type3A = arith.extui %lt3A_145 : i1 to i32
      %cond3A = arith.constant 0 : i32
      %cond3A_146 = arith.cmpi ne, %convert_element_type3A, %cond3A : i32
      scf.if %cond3A_146 {
        %add3A_177 = arith.constant 3 : i32
        %add3A_178 = arith.addi %add3A_136, %add3A_177 : i32
        %dma_start3A_179 = arith.constant 0 : i32
        %dma_start3A_180 = tpu.memref_slice %arg6[%add3A_178, %dma_start3A_179] : memref<50x100xi32, #tpu.memory_space<vmem>> -> memref<1x100xi32, #tpu.memory_space<vmem>>
        %dma_start3A_181 = tpu.memref_squeeze %dma_start3A_180 : memref<1x100xi32, #tpu.memory_space<vmem>> -> memref<100xi32, #tpu.memory_space<vmem>>
        %dma_start3A_182 = arith.constant 0 : i32
        %dma_start3A_183 = arith.constant 0 : i32
        %dma_start3A_184 = tpu.memref_slice %arg2[%dma_start3A_182, %dma_start3A_183] : memref<10000x128xf32, #tpu.memory_space<hbm>> -> memref<10000x128xf32, #tpu.memory_space<hbm>>
        tpu.enqueue_indirect_dma source(%dma_start3A_184 : memref<10000x128xf32, #tpu.memory_space<hbm>>) target(%arg8 : memref<100x128xf32, #tpu.memory_space<vmem>>) offsets(%dma_start3A_181 : memref<100xi32, #tpu.memory_space<vmem>>) semaphore(%arg12 : memref<!tpu.dma_semaphore, #tpu.memory_space<semaphore_mem>>)
      } else {
      }
      %add3A_147 = arith.constant 1 : i32
      %add3A_148 = arith.addi %mul3A_92, %add3A_147 : i32
      %dma_wait3A_149 = arith.constant 0 : i32
      %dma_wait3A_150 = tpu.memref_slice %arg7[%add3A_148, %dma_wait3A_149] : memref<50x100xi32, #tpu.memory_space<vmem>> -> memref<1x100xi32, #tpu.memory_space<vmem>>
      %dma_wait3A_151 = tpu.memref_squeeze %dma_wait3A_150 : memref<1x100xi32, #tpu.memory_space<vmem>> -> memref<100xi32, #tpu.memory_space<vmem>>
      %dma_wait3A_152 = arith.constant 0 : i32
      %dma_wait3A_153 = arith.constant 0 : i32
      %dma_wait3A_154 = tpu.memref_slice %arg11[%dma_wait3A_152, %dma_wait3A_153] : memref<10016x128xf32, #tpu.memory_space<vmem_shared>> -> memref<10016x128xf32, #tpu.memory_space<vmem_shared>>
      tpu.wait_indirect_dma semaphore(%arg16 : memref<!tpu.dma_semaphore, #tpu.memory_space<semaphore_mem>>) src(%arg9 : memref<100x128xf32, #tpu.memory_space<vmem>>) dst(%dma_wait3A_154 : memref<10016x128xf32, #tpu.memory_space<vmem_shared>>)
      %add3A_155 = arith.constant 3 : i32
      %add3A_156 = arith.addi %add3A_148, %add3A_155 : i32
      %lt3A_157 = arith.constant 50 : i32
      %lt3A_158 = arith.cmpi slt, %add3A_156, %lt3A_157 : i32
      %convert_element_type3A_159 = arith.extui %lt3A_158 : i1 to i32
      %cond3A_160 = arith.constant 0 : i32
      %cond3A_161 = arith.cmpi ne, %convert_element_type3A_159, %cond3A_160 : i32
      scf.if %cond3A_161 {
        %add3A_177 = arith.constant 3 : i32
        %add3A_178 = arith.addi %add3A_148, %add3A_177 : i32
        %dma_start3A_179 = arith.constant 0 : i32
        %dma_start3A_180 = tpu.memref_slice %arg6[%add3A_178, %dma_start3A_179] : memref<50x100xi32, #tpu.memory_space<vmem>> -> memref<1x100xi32, #tpu.memory_space<vmem>>
        %dma_start3A_181 = tpu.memref_squeeze %dma_start3A_180 : memref<1x100xi32, #tpu.memory_space<vmem>> -> memref<100xi32, #tpu.memory_space<vmem>>
        %dma_start3A_182 = arith.constant 0 : i32
        %dma_start3A_183 = arith.constant 0 : i32
        %dma_start3A_184 = tpu.memref_slice %arg2[%dma_start3A_182, %dma_start3A_183] : memref<10000x128xf32, #tpu.memory_space<hbm>> -> memref<10000x128xf32, #tpu.memory_space<hbm>>
        tpu.enqueue_indirect_dma source(%dma_start3A_184 : memref<10000x128xf32, #tpu.memory_space<hbm>>) target(%arg9 : memref<100x128xf32, #tpu.memory_space<vmem>>) offsets(%dma_start3A_181 : memref<100xi32, #tpu.memory_space<vmem>>) semaphore(%arg13 : memref<!tpu.dma_semaphore, #tpu.memory_space<semaphore_mem>>)
      } else {
      }
      %add3A_162 = arith.constant 2 : i32
      %add3A_163 = arith.addi %mul3A_92, %add3A_162 : i32
      %dma_wait3A_164 = arith.constant 0 : i32
      %dma_wait3A_165 = tpu.memref_slice %arg7[%add3A_163, %dma_wait3A_164] : memref<50x100xi32, #tpu.memory_space<vmem>> -> memref<1x100xi32, #tpu.memory_space<vmem>>
      %dma_wait3A_166 = tpu.memref_squeeze %dma_wait3A_165 : memref<1x100xi32, #tpu.memory_space<vmem>> -> memref<100xi32, #tpu.memory_space<vmem>>
      %dma_wait3A_167 = arith.constant 0 : i32
      %dma_wait3A_168 = arith.constant 0 : i32
      %dma_wait3A_169 = tpu.memref_slice %arg11[%dma_wait3A_167, %dma_wait3A_168] : memref<10016x128xf32, #tpu.memory_space<vmem_shared>> -> memref<10016x128xf32, #tpu.memory_space<vmem_shared>>
      tpu.wait_indirect_dma semaphore(%arg17 : memref<!tpu.dma_semaphore, #tpu.memory_space<semaphore_mem>>) src(%arg10 : memref<100x128xf32, #tpu.memory_space<vmem>>) dst(%dma_wait3A_169 : memref<10016x128xf32, #tpu.memory_space<vmem_shared>>)
      %add3A_170 = arith.constant 3 : i32
      %add3A_171 = arith.addi %add3A_163, %add3A_170 : i32
      %lt3A_172 = arith.constant 50 : i32
      %lt3A_173 = arith.cmpi slt, %add3A_171, %lt3A_172 : i32
      %convert_element_type3A_174 = arith.extui %lt3A_173 : i1 to i32
      %cond3A_175 = arith.constant 0 : i32
      %cond3A_176 = arith.cmpi ne, %convert_element_type3A_174, %cond3A_175 : i32
      scf.if %cond3A_176 {
        %add3A_177 = arith.constant 3 : i32
        %add3A_178 = arith.addi %add3A_163, %add3A_177 : i32
        %dma_start3A_179 = arith.constant 0 : i32
        %dma_start3A_180 = tpu.memref_slice %arg6[%add3A_178, %dma_start3A_179] : memref<50x100xi32, #tpu.memory_space<vmem>> -> memref<1x100xi32, #tpu.memory_space<vmem>>
        %dma_start3A_181 = tpu.memref_squeeze %dma_start3A_180 : memref<1x100xi32, #tpu.memory_space<vmem>> -> memref<100xi32, #tpu.memory_space<vmem>>
        %dma_start3A_182 = arith.constant 0 : i32
        %dma_start3A_183 = arith.constant 0 : i32
        %dma_start3A_184 = tpu.memref_slice %arg2[%dma_start3A_182, %dma_start3A_183] : memref<10000x128xf32, #tpu.memory_space<hbm>> -> memref<10000x128xf32, #tpu.memory_space<hbm>>
        tpu.enqueue_indirect_dma source(%dma_start3A_184 : memref<10000x128xf32, #tpu.memory_space<hbm>>) target(%arg10 : memref<100x128xf32, #tpu.memory_space<vmem>>) offsets(%dma_start3A_181 : memref<100xi32, #tpu.memory_space<vmem>>) semaphore(%arg14 : memref<!tpu.dma_semaphore, #tpu.memory_space<semaphore_mem>>)
      } else {
      }
    }
    %scan3A_39 = arith.constant 16 : i32
    %dma_wait3A = arith.constant 48 : i32
    %dma_wait3A_40 = arith.constant 0 : i32
    %dma_wait3A_41 = tpu.memref_slice %arg6[%dma_wait3A, %dma_wait3A_40] : memref<50x100xi32, #tpu.memory_space<vmem>> -> memref<1x100xi32, #tpu.memory_space<vmem>>
    %dma_wait3A_42 = tpu.memref_squeeze %dma_wait3A_41 : memref<1x100xi32, #tpu.memory_space<vmem>> -> memref<100xi32, #tpu.memory_space<vmem>>
    %dma_wait3A_43 = arith.constant 0 : i32
    %dma_wait3A_44 = arith.constant 0 : i32
    %dma_wait3A_45 = tpu.memref_slice %arg2[%dma_wait3A_43, %dma_wait3A_44] : memref<10000x128xf32, #tpu.memory_space<hbm>> -> memref<10000x128xf32, #tpu.memory_space<hbm>>
    tpu.wait_indirect_dma semaphore(%arg12 : memref<!tpu.dma_semaphore, #tpu.memory_space<semaphore_mem>>) src(%dma_wait3A_45 : memref<10000x128xf32, #tpu.memory_space<hbm>>) dst(%arg8 : memref<100x128xf32, #tpu.memory_space<vmem>>)
    %dma_start3A_46 = arith.constant 48 : i32
    %dma_start3A_47 = arith.constant 0 : i32
    %dma_start3A_48 = tpu.memref_slice %arg7[%dma_start3A_46, %dma_start3A_47] : memref<50x100xi32, #tpu.memory_space<vmem>> -> memref<1x100xi32, #tpu.memory_space<vmem>>
    %dma_start3A_49 = tpu.memref_squeeze %dma_start3A_48 : memref<1x100xi32, #tpu.memory_space<vmem>> -> memref<100xi32, #tpu.memory_space<vmem>>
    %dma_start3A_50 = arith.constant 0 : i32
    %dma_start3A_51 = arith.constant 0 : i32
    %dma_start3A_52 = tpu.memref_slice %arg11[%dma_start3A_50, %dma_start3A_51] : memref<10016x128xf32, #tpu.memory_space<vmem_shared>> -> memref<10016x128xf32, #tpu.memory_space<vmem_shared>>
    tpu.enqueue_indirect_dma source(%arg8 : memref<100x128xf32, #tpu.memory_space<vmem>>) target(%dma_start3A_52 : memref<10016x128xf32, #tpu.memory_space<vmem_shared>>) offsets(%dma_start3A_49 : memref<100xi32, #tpu.memory_space<vmem>>) semaphore(%arg15 : memref<!tpu.dma_semaphore, #tpu.memory_space<semaphore_mem>>) {add = true}
    %dma_wait3A_53 = arith.constant 49 : i32
    %dma_wait3A_54 = arith.constant 0 : i32
    %dma_wait3A_55 = tpu.memref_slice %arg6[%dma_wait3A_53, %dma_wait3A_54] : memref<50x100xi32, #tpu.memory_space<vmem>> -> memref<1x100xi32, #tpu.memory_space<vmem>>
    %dma_wait3A_56 = tpu.memref_squeeze %dma_wait3A_55 : memref<1x100xi32, #tpu.memory_space<vmem>> -> memref<100xi32, #tpu.memory_space<vmem>>
    %dma_wait3A_57 = arith.constant 0 : i32
    %dma_wait3A_58 = arith.constant 0 : i32
    %dma_wait3A_59 = tpu.memref_slice %arg2[%dma_wait3A_57, %dma_wait3A_58] : memref<10000x128xf32, #tpu.memory_space<hbm>> -> memref<10000x128xf32, #tpu.memory_space<hbm>>
    tpu.wait_indirect_dma semaphore(%arg13 : memref<!tpu.dma_semaphore, #tpu.memory_space<semaphore_mem>>) src(%dma_wait3A_59 : memref<10000x128xf32, #tpu.memory_space<hbm>>) dst(%arg9 : memref<100x128xf32, #tpu.memory_space<vmem>>)
    %dma_start3A_60 = arith.constant 49 : i32
    %dma_start3A_61 = arith.constant 0 : i32
    %dma_start3A_62 = tpu.memref_slice %arg7[%dma_start3A_60, %dma_start3A_61] : memref<50x100xi32, #tpu.memory_space<vmem>> -> memref<1x100xi32, #tpu.memory_space<vmem>>
    %dma_start3A_63 = tpu.memref_squeeze %dma_start3A_62 : memref<1x100xi32, #tpu.memory_space<vmem>> -> memref<100xi32, #tpu.memory_space<vmem>>
    %dma_start3A_64 = arith.constant 0 : i32
    %dma_start3A_65 = arith.constant 0 : i32
    %dma_start3A_66 = tpu.memref_slice %arg11[%dma_start3A_64, %dma_start3A_65] : memref<10016x128xf32, #tpu.memory_space<vmem_shared>> -> memref<10016x128xf32, #tpu.memory_space<vmem_shared>>
    tpu.enqueue_indirect_dma source(%arg9 : memref<100x128xf32, #tpu.memory_space<vmem>>) target(%dma_start3A_66 : memref<10016x128xf32, #tpu.memory_space<vmem_shared>>) offsets(%dma_start3A_63 : memref<100xi32, #tpu.memory_space<vmem>>) semaphore(%arg16 : memref<!tpu.dma_semaphore, #tpu.memory_space<semaphore_mem>>) {add = true}
    %dma_wait3A_67 = arith.constant 48 : i32
    %dma_wait3A_68 = arith.constant 0 : i32
    %dma_wait3A_69 = tpu.memref_slice %arg7[%dma_wait3A_67, %dma_wait3A_68] : memref<50x100xi32, #tpu.memory_space<vmem>> -> memref<1x100xi32, #tpu.memory_space<vmem>>
    %dma_wait3A_70 = tpu.memref_squeeze %dma_wait3A_69 : memref<1x100xi32, #tpu.memory_space<vmem>> -> memref<100xi32, #tpu.memory_space<vmem>>
    %dma_wait3A_71 = arith.constant 0 : i32
    %dma_wait3A_72 = arith.constant 0 : i32
    %dma_wait3A_73 = tpu.memref_slice %arg11[%dma_wait3A_71, %dma_wait3A_72] : memref<10016x128xf32, #tpu.memory_space<vmem_shared>> -> memref<10016x128xf32, #tpu.memory_space<vmem_shared>>
    tpu.wait_indirect_dma semaphore(%arg15 : memref<!tpu.dma_semaphore, #tpu.memory_space<semaphore_mem>>) src(%arg8 : memref<100x128xf32, #tpu.memory_space<vmem>>) dst(%dma_wait3A_73 : memref<10016x128xf32, #tpu.memory_space<vmem_shared>>)
    %dma_wait3A_74 = arith.constant 49 : i32
    %dma_wait3A_75 = arith.constant 0 : i32
    %dma_wait3A_76 = tpu.memref_slice %arg7[%dma_wait3A_74, %dma_wait3A_75] : memref<50x100xi32, #tpu.memory_space<vmem>> -> memref<1x100xi32, #tpu.memory_space<vmem>>
    %dma_wait3A_77 = tpu.memref_squeeze %dma_wait3A_76 : memref<1x100xi32, #tpu.memory_space<vmem>> -> memref<100xi32, #tpu.memory_space<vmem>>
    %dma_wait3A_78 = arith.constant 0 : i32
    %dma_wait3A_79 = arith.constant 0 : i32
    %dma_wait3A_80 = tpu.memref_slice %arg11[%dma_wait3A_78, %dma_wait3A_79] : memref<10016x128xf32, #tpu.memory_space<vmem_shared>> -> memref<10016x128xf32, #tpu.memory_space<vmem_shared>>
    tpu.wait_indirect_dma semaphore(%arg16 : memref<!tpu.dma_semaphore, #tpu.memory_space<semaphore_mem>>) src(%arg9 : memref<100x128xf32, #tpu.memory_space<vmem>>) dst(%dma_wait3A_80 : memref<10016x128xf32, #tpu.memory_space<vmem_shared>>)
    %barrier3A_81 = arith.constant 0 : index
    tpu.barrier barrier_id(%barrier3A_81)
    %mul3A_82 = arith.constant 625 : i32
    %mul3A_83 = arith.muli %arg1, %mul3A_82 : i32
    %mul3A_84 = arith.constant 625 : i32
    %mul3A_85 = arith.muli %arg1, %mul3A_84 : i32
    "tpu.region"() ({
      %run_scoped3A = tpu.sem_alloc : memref<!tpu.dma_semaphore, #tpu.memory_space<semaphore_mem>>
      %dma_start3A_86 = arith.constant 0 : i32
      %dma_start3A_87 = arith.constant 0 : i32
      %dma_start3A_88 = tpu.memref_slice %arg5[%arg0, %dma_start3A_86, %dma_start3A_87] : memref<2x10000x128xf32, #tpu.memory_space<hbm>> -> memref<1x10000x128xf32, #tpu.memory_space<hbm>>
      %dma_start3A_89 = tpu.memref_squeeze %dma_start3A_88 : memref<1x10000x128xf32, #tpu.memory_space<hbm>> -> memref<10000x128xf32, #tpu.memory_space<hbm>>
      %dma_start3A_90 = arith.constant 0 : i32
      %dma_start3A_91 = tpu.memref_slice %dma_start3A_89[%mul3A_85, %dma_start3A_90] : memref<10000x128xf32, #tpu.memory_space<hbm>> -> memref<625x128xf32, #tpu.memory_space<hbm>>
      %dma_start3A_92 = arith.constant 0 : i32
      %dma_start3A_93 = tpu.memref_slice %arg11[%mul3A_83, %dma_start3A_92] : memref<10016x128xf32, #tpu.memory_space<vmem_shared>> -> memref<625x128xf32, #tpu.memory_space<vmem_shared>>
      tpu.enqueue_dma source(%dma_start3A_93 : memref<625x128xf32, #tpu.memory_space<vmem_shared>>) target(%dma_start3A_91 : memref<625x128xf32, #tpu.memory_space<hbm>>) target_semaphore(%run_scoped3A : memref<!tpu.dma_semaphore, #tpu.memory_space<semaphore_mem>>)
      %dma_wait3A_94 = arith.constant 0 : i32
      %dma_wait3A_95 = arith.constant 0 : i32
      %dma_wait3A_96 = tpu.memref_slice %arg5[%arg0, %dma_wait3A_94, %dma_wait3A_95] : memref<2x10000x128xf32, #tpu.memory_space<hbm>> -> memref<1x10000x128xf32, #tpu.memory_space<hbm>>
      %dma_wait3A_97 = tpu.memref_squeeze %dma_wait3A_96 : memref<1x10000x128xf32, #tpu.memory_space<hbm>> -> memref<10000x128xf32, #tpu.memory_space<hbm>>
      %dma_wait3A_98 = arith.constant 0 : i32
      %dma_wait3A_99 = tpu.memref_slice %dma_wait3A_97[%mul3A_85, %dma_wait3A_98] : memref<10000x128xf32, #tpu.memory_space<hbm>> -> memref<625x128xf32, #tpu.memory_space<hbm>>
      %dma_wait3A_100 = arith.constant 0 : i32
      %dma_wait3A_101 = tpu.memref_slice %arg11[%mul3A_83, %dma_wait3A_100] : memref<10016x128xf32, #tpu.memory_space<vmem_shared>> -> memref<625x128xf32, #tpu.memory_space<vmem_shared>>
      tpu.wait_dma2 semaphore(%run_scoped3A : memref<!tpu.dma_semaphore, #tpu.memory_space<semaphore_mem>>) src(%dma_wait3A_101 : memref<625x128xf32, #tpu.memory_space<vmem_shared>>) dst(%dma_wait3A_99 : memref<625x128xf32, #tpu.memory_space<hbm>>)
      tpu.yield
    }) : () -> ()
    return
  }
}

module attributes {stable_mosaic.version = 14 : i64} {
  func.func @_dinv_body(%arg0: memref<32x10000xf32, #tpu.memory_space<vmem>>, %arg1: memref<10000x1xf32, #tpu.memory_space<vmem>>) attributes {dimension_semantics = [], scalar_prefetch = 0 : i64, scratch_operands = 0 : i64, tpu.core_type = #tpu.core_type<tc>} {
    %broadcast_in_dim3A = arith.constant 1.000000e+00 : f32
    %broadcast_in_dim3A_0 = vector.broadcast %broadcast_in_dim3A : f32 to vector<32x1xf32>
    %get3A = arith.constant 0 : index
    %get3A_1 = arith.constant 0 : index
    %get3A_2 = vector.load %arg0[%get3A, %get3A_1] : memref<32x10000xf32, #tpu.memory_space<vmem>>, vector<32x10000xf32>
    %dot_general3A = arith.constant dense<0.000000e+00> : vector<10000x1xf32>
    %dot_general3A_3 = tpu.matmul %get3A_2, %broadcast_in_dim3A_0, %dot_general3A {dimension_numbers = #tpu.dot_dimension_numbers<[0], [0], [1], [1], [0, 1, 1, 1], [], []>, transpose_lhs_hint = false} : vector<32x10000xf32>, vector<32x1xf32>, vector<10000x1xf32> -> vector<10000x1xf32>
    %add3A = arith.constant 1.000000e+00 : f32
    %add3A_4 = vector.broadcast %add3A : f32 to vector<10000x1xf32>
    %add3A_5 = arith.addf %dot_general3A_3, %add3A_4 : vector<10000x1xf32>
    %rsqrt3A = math.rsqrt %add3A_5 : vector<10000x1xf32>
    %swap3A = arith.constant 0 : index
    %swap3A_6 = arith.constant 0 : index
    %swap3A_7 = vector.load %arg1[%swap3A, %swap3A_6] : memref<10000x1xf32, #tpu.memory_space<vmem>>, vector<10000x1xf32>
    tpu.vector_store %arg1[%swap3A, %swap3A_6], %rsqrt3A {strides = array<i32>} : memref<10000x1xf32, #tpu.memory_space<vmem>>, vector<10000x1xf32>,
    return
  }
}

module attributes {stable_mosaic.version = 14 : i64} {
  func.func @_mmscale_body(%arg0: i32, %arg1: memref<2000x1xf32, #tpu.memory_space<vmem>>, %arg2: memref<2000x256xf32, #tpu.memory_space<vmem>>, %arg3: memref<256x256xf32, #tpu.memory_space<vmem>>, %arg4: memref<2x2000x128xf32, #tpu.memory_space<vmem>>) attributes {dimension_semantics = [#tpu.dimension_semantics<arbitrary>], iteration_bounds = array<i64: 5>, scalar_prefetch = 0 : i64, scratch_operands = 0 : i64, tpu.core_type = #tpu.core_type<tc>, window_params = [{transform_indices = @transform_0, window_bounds = array<i64: 2000, 1>}, {transform_indices = @transform_1, window_bounds = array<i64: 2000, 256>}, {pipeline_mode = #tpu.pipeline_mode<synchronous>, transform_indices = @transform_2, window_bounds = array<i64: 256, 256>}, {transform_indices = @transform_3, window_bounds = array<i64: 2, 2000, 128>}]} {
    %get3A = arith.constant 0 : index
    %get3A_0 = arith.constant 0 : index
    %get3A_1 = vector.load %arg2[%get3A, %get3A_0] : memref<2000x256xf32, #tpu.memory_space<vmem>>, vector<2000x256xf32>
    %get3A_2 = arith.constant 0 : index
    %get3A_3 = arith.constant 0 : index
    %get3A_4 = vector.load %arg3[%get3A_2, %get3A_3] : memref<256x256xf32, #tpu.memory_space<vmem>>, vector<256x256xf32>
    %dot_general3A = arith.constant dense<0.000000e+00> : vector<2000x256xf32>
    %dot_general3A_5 = tpu.matmul %get3A_1, %get3A_4, %dot_general3A {dimension_numbers = #tpu.dot_dimension_numbers<[1], [0], [0], [1], [0, 0, 1, 1], [], []>, transpose_lhs_hint = false} : vector<2000x256xf32>, vector<256x256xf32>, vector<2000x256xf32> -> vector<2000x256xf32>
    %get3A_6 = arith.constant 0 : index
    %get3A_7 = arith.constant 0 : index
    %get3A_8 = vector.load %arg1[%get3A_6, %get3A_7] : memref<2000x1xf32, #tpu.memory_space<vmem>>, vector<2000x1xf32>
    %mul3A = vector.broadcast %get3A_8 : vector<2000x1xf32> to vector<2000x256xf32>
    %mul3A_9 = arith.mulf %dot_general3A_5, %mul3A : vector<2000x256xf32>
    %slice3A = vector.extract_strided_slice %mul3A_9 {offsets = [0, 0], sizes = [2000, 128], strides = [1, 1]} : vector<2000x256xf32> to vector<2000x128xf32>
    %swap3A = arith.constant 0 : index
    %swap3A_10 = arith.constant 0 : index
    %swap3A_11 = arith.constant 0 : index
    %swap3A_12 = vector.load %arg4[%swap3A, %swap3A_10, %swap3A_11] : memref<2x2000x128xf32, #tpu.memory_space<vmem>>, vector<1x2000x128xf32>
    %swap3A_13 = vector.shape_cast %swap3A_12 : vector<1x2000x128xf32> to vector<2000x128xf32>
    %swap3A_14 = vector.shape_cast %slice3A : vector<2000x128xf32> to vector<1x2000x128xf32>
    tpu.vector_store %arg4[%swap3A, %swap3A_10, %swap3A_11], %swap3A_14 {strides = array<i32>} : memref<2x2000x128xf32, #tpu.memory_space<vmem>>, vector<1x2000x128xf32>,
    %slice3A_15 = vector.extract_strided_slice %mul3A_9 {offsets = [0, 128], sizes = [2000, 128], strides = [1, 1]} : vector<2000x256xf32> to vector<2000x128xf32>
    %swap3A_16 = arith.constant 1 : index
    %swap3A_17 = arith.constant 0 : index
    %swap3A_18 = arith.constant 0 : index
    %swap3A_19 = vector.load %arg4[%swap3A_16, %swap3A_17, %swap3A_18] : memref<2x2000x128xf32, #tpu.memory_space<vmem>>, vector<1x2000x128xf32>
    %swap3A_20 = vector.shape_cast %swap3A_19 : vector<1x2000x128xf32> to vector<2000x128xf32>
    %swap3A_21 = vector.shape_cast %slice3A_15 : vector<2000x128xf32> to vector<1x2000x128xf32>
    tpu.vector_store %arg4[%swap3A_16, %swap3A_17, %swap3A_18], %swap3A_21 {strides = array<i32>} : memref<2x2000x128xf32, #tpu.memory_space<vmem>>, vector<1x2000x128xf32>,
    return
  }
  func.func @transform_0(%arg0: i32) -> (i32, i32) {
    %c0_i32 = arith.constant 0 : i32
    %c0_i32_0 = arith.constant 0 : i32
    return %arg0, %c0_i32 : i32, i32
  }
  func.func @transform_1(%arg0: i32) -> (i32, i32) {
    %c0_i32 = arith.constant 0 : i32
    %c0_i32_0 = arith.constant 0 : i32
    return %arg0, %c0_i32 : i32, i32
  }
  func.func @transform_2(%arg0: i32) -> (i32, i32) {
    %c0_i32 = arith.constant 0 : i32
    %c0_i32_0 = arith.constant 0 : i32
    %c0_i32_1 = arith.constant 0 : i32
    return %c0_i32, %c0_i32_0 : i32, i32
  }
  func.func @transform_3(%arg0: i32) -> (i32, i32, i32) {
    %c0_i32 = arith.constant 0 : i32
    %c0_i32_0 = arith.constant 0 : i32
    %c0_i32_1 = arith.constant 0 : i32
    return %c0_i32, %arg0, %c0_i32_0 : i32, i32, i32
  }
}

module attributes {stable_mosaic.version = 14 : i64} {
  func.func @_layer_body(%arg0: i32, %arg1: memref<1x2000x128xf32, #tpu.memory_space<vmem>>, %arg2: memref<1x2000x128xf32, #tpu.memory_space<vmem>>, %arg3: memref<1x2000x128xf32, #tpu.memory_space<vmem>>, %arg4: memref<1x2000x128xf32, #tpu.memory_space<vmem>>, %arg5: memref<2000x1xf32, #tpu.memory_space<vmem>>, %arg6: memref<1x256xf32, #tpu.memory_space<vmem>>, %arg7: memref<256x128xf32, #tpu.memory_space<vmem>>, %arg8: memref<2000x128xf32, #tpu.memory_space<vmem>>) attributes {dimension_semantics = [#tpu.dimension_semantics<arbitrary>], iteration_bounds = array<i64: 5>, scalar_prefetch = 0 : i64, scratch_operands = 0 : i64, tpu.core_type = #tpu.core_type<tc>, window_params = [{transform_indices = @transform_0, window_bounds = array<i64: 1, 2000, 128>}, {transform_indices = @transform_1, window_bounds = array<i64: 1, 2000, 128>}, {transform_indices = @transform_2, window_bounds = array<i64: 1, 2000, 128>}, {transform_indices = @transform_3, window_bounds = array<i64: 1, 2000, 128>}, {transform_indices = @transform_4, window_bounds = array<i64: 2000, 1>}, {pipeline_mode = #tpu.pipeline_mode<synchronous>, transform_indices = @transform_5, window_bounds = array<i64: 1, 256>}, {pipeline_mode = #tpu.pipeline_mode<synchronous>, transform_indices = @transform_6, window_bounds = array<i64: 256, 128>}, {transform_indices = @transform_7, window_bounds = array<i64: 2000, 128>}]} {
    %get3A = arith.constant 0 : index
    %get3A_0 = arith.constant 0 : index
    %get3A_1 = arith.constant 0 : index
    %get3A_2 = vector.load %arg1[%get3A, %get3A_0, %get3A_1] : memref<1x2000x128xf32, #tpu.memory_space<vmem>>, vector<1x2000x128xf32>
    %get3A_3 = vector.shape_cast %get3A_2 : vector<1x2000x128xf32> to vector<2000x128xf32>
    %get3A_4 = arith.constant 0 : index
    %get3A_5 = arith.constant 0 : index
    %get3A_6 = arith.constant 0 : index
    %get3A_7 = vector.load %arg3[%get3A_4, %get3A_5, %get3A_6] : memref<1x2000x128xf32, #tpu.memory_space<vmem>>, vector<1x2000x128xf32>
    %get3A_8 = vector.shape_cast %get3A_7 : vector<1x2000x128xf32> to vector<2000x128xf32>
    %add3A = arith.addf %get3A_3, %get3A_8 : vector<2000x128xf32>
    %get3A_9 = arith.constant 0 : index
    %get3A_10 = arith.constant 0 : index
    %get3A_11 = arith.constant 0 : index
    %get3A_12 = vector.load %arg2[%get3A_9, %get3A_10, %get3A_11] : memref<1x2000x128xf32, #tpu.memory_space<vmem>>, vector<1x2000x128xf32>
    %get3A_13 = vector.shape_cast %get3A_12 : vector<1x2000x128xf32> to vector<2000x128xf32>
    %get3A_14 = arith.constant 0 : index
    %get3A_15 = arith.constant 0 : index
    %get3A_16 = arith.constant 0 : index
    %get3A_17 = vector.load %arg4[%get3A_14, %get3A_15, %get3A_16] : memref<1x2000x128xf32, #tpu.memory_space<vmem>>, vector<1x2000x128xf32>
    %get3A_18 = vector.shape_cast %get3A_17 : vector<1x2000x128xf32> to vector<2000x128xf32>
    %add3A_19 = arith.addf %get3A_13, %get3A_18 : vector<2000x128xf32>
    %concatenate3A = tpu.concatenate %add3A, %add3A_19 in 1 : vector<2000x128xf32>, vector<2000x128xf32> -> vector<2000x256xf32>
    %get3A_20 = arith.constant 0 : index
    %get3A_21 = arith.constant 0 : index
    %get3A_22 = vector.load %arg5[%get3A_20, %get3A_21] : memref<2000x1xf32, #tpu.memory_space<vmem>>, vector<2000x1xf32>
    %mul3A = vector.broadcast %get3A_22 : vector<2000x1xf32> to vector<2000x256xf32>
    %mul3A_23 = arith.mulf %mul3A, %concatenate3A : vector<2000x256xf32>
    %get3A_24 = arith.constant 0 : index
    %get3A_25 = arith.constant 0 : index
    %get3A_26 = vector.load %arg6[%get3A_24, %get3A_25] : memref<1x256xf32, #tpu.memory_space<vmem>>, vector<1x256xf32>
    %add3A_27 = vector.broadcast %get3A_26 : vector<1x256xf32> to vector<2000x256xf32>
    %add3A_28 = arith.addf %mul3A_23, %add3A_27 : vector<2000x256xf32>
    %max3A = arith.constant 0.000000e+00 : f32
    %max3A_29 = vector.broadcast %max3A : f32 to vector<2000x256xf32>
    %max3A_30 = arith.maximumf %add3A_28, %max3A_29 : vector<2000x256xf32>
    %get3A_31 = arith.constant 0 : index
    %get3A_32 = arith.constant 0 : index
    %get3A_33 = vector.load %arg7[%get3A_31, %get3A_32] : memref<256x128xf32, #tpu.memory_space<vmem>>, vector<256x128xf32>
    %dot_general3A = arith.constant dense<0.000000e+00> : vector<2000x128xf32>
    %dot_general3A_34 = tpu.matmul %max3A_30, %get3A_33, %dot_general3A {dimension_numbers = #tpu.dot_dimension_numbers<[1], [0], [0], [1], [0, 0, 1, 1], [], []>, transpose_lhs_hint = false} : vector<2000x256xf32>, vector<256x128xf32>, vector<2000x128xf32> -> vector<2000x128xf32>
    %mul3A_35 = vector.broadcast %get3A_22 : vector<2000x1xf32> to vector<2000x128xf32>
    %mul3A_36 = arith.mulf %mul3A_35, %dot_general3A_34 : vector<2000x128xf32>
    %swap3A = arith.constant 0 : index
    %swap3A_37 = arith.constant 0 : index
    %swap3A_38 = vector.load %arg8[%swap3A, %swap3A_37] : memref<2000x128xf32, #tpu.memory_space<vmem>>, vector<2000x128xf32>
    tpu.vector_store %arg8[%swap3A, %swap3A_37], %mul3A_36 {strides = array<i32>} : memref<2000x128xf32, #tpu.memory_space<vmem>>, vector<2000x128xf32>,
    return
  }
  func.func @transform_0(%arg0: i32) -> (i32, i32, i32) {
    %c0_i32 = arith.constant 0 : i32
    %c0_i32_0 = arith.constant 0 : i32
    %c0_i32_1 = arith.constant 0 : i32
    return %c0_i32, %arg0, %c0_i32_0 : i32, i32, i32
  }
  func.func @transform_1(%arg0: i32) -> (i32, i32, i32) {
    %c1_i32 = arith.constant 1 : i32
    %c0_i32 = arith.constant 0 : i32
    %c0_i32_0 = arith.constant 0 : i32
    return %c1_i32, %arg0, %c0_i32 : i32, i32, i32
  }
  func.func @transform_2(%arg0: i32) -> (i32, i32, i32) {
    %c0_i32 = arith.constant 0 : i32
    %c0_i32_0 = arith.constant 0 : i32
    %c0_i32_1 = arith.constant 0 : i32
    return %c0_i32, %arg0, %c0_i32_0 : i32, i32, i32
  }
  func.func @transform_3(%arg0: i32) -> (i32, i32, i32) {
    %c1_i32 = arith.constant 1 : i32
    %c0_i32 = arith.constant 0 : i32
    %c0_i32_0 = arith.constant 0 : i32
    return %c1_i32, %arg0, %c0_i32 : i32, i32, i32
  }
  func.func @transform_4(%arg0: i32) -> (i32, i32) {
    %c0_i32 = arith.constant 0 : i32
    %c0_i32_0 = arith.constant 0 : i32
    return %arg0, %c0_i32 : i32, i32
  }
  func.func @transform_5(%arg0: i32) -> (i32, i32) {
    %c0_i32 = arith.constant 0 : i32
    %c0_i32_0 = arith.constant 0 : i32
    %c0_i32_1 = arith.constant 0 : i32
    return %c0_i32, %c0_i32_0 : i32, i32
  }
  func.func @transform_6(%arg0: i32) -> (i32, i32) {
    %c0_i32 = arith.constant 0 : i32
    %c0_i32_0 = arith.constant 0 : i32
    %c0_i32_1 = arith.constant 0 : i32
    return %c0_i32, %c0_i32_0 : i32, i32
  }
  func.func @transform_7(%arg0: i32) -> (i32, i32) {
    %c0_i32 = arith.constant 0 : i32
    %c0_i32_0 = arith.constant 0 : i32
    return %arg0, %c0_i32 : i32, i32
  }
}

module attributes {stable_mosaic.version = 14 : i64} {
  func.func @_final_body(%arg0: i32, %arg1: memref<1x2000x128xf32, #tpu.memory_space<vmem>>, %arg2: memref<1x2000x128xf32, #tpu.memory_space<vmem>>, %arg3: memref<2000x128xf32, #tpu.memory_space<vmem>>, %arg4: memref<2000x1xf32, #tpu.memory_space<vmem>>, %arg5: memref<1x128xf32, #tpu.memory_space<vmem>>, %arg6: memref<2000x128xf32, #tpu.memory_space<vmem>>) attributes {dimension_semantics = [#tpu.dimension_semantics<arbitrary>], iteration_bounds = array<i64: 5>, scalar_prefetch = 0 : i64, scratch_operands = 0 : i64, tpu.core_type = #tpu.core_type<tc>, window_params = [{transform_indices = @transform_0, window_bounds = array<i64: 1, 2000, 128>}, {transform_indices = @transform_1, window_bounds = array<i64: 1, 2000, 128>}, {transform_indices = @transform_2, window_bounds = array<i64: 2000, 128>}, {transform_indices = @transform_3, window_bounds = array<i64: 2000, 1>}, {pipeline_mode = #tpu.pipeline_mode<synchronous>, transform_indices = @transform_4, window_bounds = array<i64: 1, 128>}, {transform_indices = @transform_5, window_bounds = array<i64: 2000, 128>}]} {
    %get3A = arith.constant 0 : index
    %get3A_0 = arith.constant 0 : index
    %get3A_1 = arith.constant 0 : index
    %get3A_2 = vector.load %arg1[%get3A, %get3A_0, %get3A_1] : memref<1x2000x128xf32, #tpu.memory_space<vmem>>, vector<1x2000x128xf32>
    %get3A_3 = vector.shape_cast %get3A_2 : vector<1x2000x128xf32> to vector<2000x128xf32>
    %get3A_4 = arith.constant 0 : index
    %get3A_5 = arith.constant 0 : index
    %get3A_6 = arith.constant 0 : index
    %get3A_7 = vector.load %arg2[%get3A_4, %get3A_5, %get3A_6] : memref<1x2000x128xf32, #tpu.memory_space<vmem>>, vector<1x2000x128xf32>
    %get3A_8 = vector.shape_cast %get3A_7 : vector<1x2000x128xf32> to vector<2000x128xf32>
    %add3A = arith.addf %get3A_3, %get3A_8 : vector<2000x128xf32>
    %get3A_9 = arith.constant 0 : index
    %get3A_10 = arith.constant 0 : index
    %get3A_11 = vector.load %arg3[%get3A_9, %get3A_10] : memref<2000x128xf32, #tpu.memory_space<vmem>>, vector<2000x128xf32>
    %add3A_12 = arith.addf %add3A, %get3A_11 : vector<2000x128xf32>
    %get3A_13 = arith.constant 0 : index
    %get3A_14 = arith.constant 0 : index
    %get3A_15 = vector.load %arg4[%get3A_13, %get3A_14] : memref<2000x1xf32, #tpu.memory_space<vmem>>, vector<2000x1xf32>
    %mul3A = vector.broadcast %get3A_15 : vector<2000x1xf32> to vector<2000x128xf32>
    %mul3A_16 = arith.mulf %mul3A, %add3A_12 : vector<2000x128xf32>
    %get3A_17 = arith.constant 0 : index
    %get3A_18 = arith.constant 0 : index
    %get3A_19 = vector.load %arg5[%get3A_17, %get3A_18] : memref<1x128xf32, #tpu.memory_space<vmem>>, vector<1x128xf32>
    %add3A_20 = vector.broadcast %get3A_19 : vector<1x128xf32> to vector<2000x128xf32>
    %add3A_21 = arith.addf %mul3A_16, %add3A_20 : vector<2000x128xf32>
    %swap3A = arith.constant 0 : index
    %swap3A_22 = arith.constant 0 : index
    %swap3A_23 = vector.load %arg6[%swap3A, %swap3A_22] : memref<2000x128xf32, #tpu.memory_space<vmem>>, vector<2000x128xf32>
    tpu.vector_store %arg6[%swap3A, %swap3A_22], %add3A_21 {strides = array<i32>} : memref<2000x128xf32, #tpu.memory_space<vmem>>, vector<2000x128xf32>,
    return
  }
  func.func @transform_0(%arg0: i32) -> (i32, i32, i32) {
    %c0_i32 = arith.constant 0 : i32
    %c0_i32_0 = arith.constant 0 : i32
    %c0_i32_1 = arith.constant 0 : i32
    return %c0_i32, %arg0, %c0_i32_0 : i32, i32, i32
  }
  func.func @transform_1(%arg0: i32) -> (i32, i32, i32) {
    %c1_i32 = arith.constant 1 : i32
    %c0_i32 = arith.constant 0 : i32
    %c0_i32_0 = arith.constant 0 : i32
    return %c1_i32, %arg0, %c0_i32 : i32, i32, i32
  }
  func.func @transform_2(%arg0: i32) -> (i32, i32) {
    %c0_i32 = arith.constant 0 : i32
    %c0_i32_0 = arith.constant 0 : i32
    return %arg0, %c0_i32 : i32, i32
  }
  func.func @transform_3(%arg0: i32) -> (i32, i32) {
    %c0_i32 = arith.constant 0 : i32
    %c0_i32_0 = arith.constant 0 : i32
    return %arg0, %c0_i32 : i32, i32
  }
  func.func @transform_4(%arg0: i32) -> (i32, i32) {
    %c0_i32 = arith.constant 0 : i32
    %c0_i32_0 = arith.constant 0 : i32
    %c0_i32_1 = arith.constant 0 : i32
    return %c0_i32, %c0_i32_0 : i32, i32
  }
  func.func @transform_5(%arg0: i32) -> (i32, i32) {
    %c0_i32 = arith.constant 0 : i32
    %c0_i32_0 = arith.constant 0 : i32
    return %arg0, %c0_i32 : i32, i32
  }
}

</mosaic_0001>

<sc_bundles>
// kernel: kernel.12.cloned.1.call-start
scs
__scs_entry_jumppad:
0x0: {  	(pc) =	sbr.rel $0x88, $3  }
0x1: {  	(tag) =	ssettag $0x0;
	lr =	simm.s32 $0x1  }
0x2: {  	[smem:$0x3F9B] =	sst lr;
	_ =	strace $0xD0000000  }
0x3: {  	_ = 	snop  }
0x4: {  	_ = 	snop  }
0x5: {  	_ = 	snop  }
0x6: {  	_ = 	snop  }
0x7: {  	_ = 	snop  }
__scs_overlays_trampoline_lowered:
0x8: {  	[smem:$0x3FAA] =	sst s0  }
0x9: {  	[smem:$0x3FAB] =	sst s1  }
0xa: {  	[smem:$0x3FAC] =	sst s2  }
0xb: {  	[smem:$0x3FAD] =	sst s3  }
0xc: {  	[smem:$0x3FAE] =	sst s4  }
0xd: {  	[smem:$0x3FAF] =	sst s5  }
0xe: {  	[smem:$0x3FB0] =	sst s6  }
0xf: {  	[smem:$0x3FB1] =	sst s7  }
0x10: {  	[smem:$0x3FB2] =	sst s8  }
0x11: {  	[smem:$0x3FB3] =	sst s9;
	s0 =	simm.s32 @!p0 $0x0  }
0x12: {  	s1 =	sld [smem:$0x3F99];
	s0 =	simm.s32 @p0 $0x1  }
0x13: {  	[smem:$0x3FB4] =	sst s0;
	s0 =	simm.s32 @!p1 $0x0  }
0x14: {  	s2 =	sld [smem:$0x3F98];
	s0 =	simm.s32 @p1 $0x1  }
0x15: {  	[smem:$0x3FB5] =	sst s0;
	s0 =	simm.s32 @!p2 $0x0  }
0x16: {  	s3 =	sld [smem:$0x3FDB];
	s0 =	simm.s32 @p2 $0x1  }
0x17: {  	s4 =	simm.s32 $0x1BF5;
	[smem:$0x3FB7] =	sst s0  }
0x18: {  	s0 =	sld [smem:$0x3F9A];
	_ =	swait.ge [sflag:s4], $0x0  }
0x19: {  	s7 =	sld [smem:$0x3F9B]  }
0x1a: {  	s8 =	sadd.s32 $0xFFFFE003, lr  }
0x1b: {  	s9 =	sadd.s32 $0xFFFFFEF7, lr;
	s5 =	simm.s32 $0xFFFFFFFF;
	p2 =	slt.u32 s8, $0xFFFFF086  }
0x1c: {  	p1 =	slt.u32 s9, $0xF7A;
	s5 =	simm.s32 @!p2 $0x0  }
0x1d: {  	s5 =	simm.s32 @p1 $0x1;
	p0 =	seq.s32 s7, s2  }
0x1e: {  	s7 =	smul.u32 @!p0 $0xF7A, s2;
	p2 =	seq.s32 @!p0 s5, $0x0  }
0x1f: {  	s9 =	smul.u32 $0xF7A, s1;
	s8 =	simm.s32 @!p0 $0x1BF5;
	p2 =	por !p2, p0  }
0x20: {  	[sflag:s8] =	ssyncset.s32 @!p0 $0xFFFFF086;
	s6 =	sadd.s32 @!p0 s3, s7;
	s7 =	simm.s32 @!p0 $0x108  }
0x21: {  	s3 =	sadd.s32 s3, s9;
	s6 =	sadd.s32 @!p0 $0x88, s6;
	s7 =	simm.s32 @p2 $0x1082  }
0x22: {  	[simem:s7], [sflag:s8] =	dma.local @!p0 [hbm:s6], $0xF7A  }
0x23: {  	s9 =	sor.u32 $0xD0000000, s2;
	s6 =	simm.s32 $0x108;
	_ =	swait.ge @!p0 [sflag:s8], $0x0  }
0x24: {  	s3 =	sadd.s32 $0x88, s3;
	s6 =	simm.s32 @!p1 $0x1082;
	[sflag:s4] =	ssyncset.s32 $0xFFFFF086  }
0x25: {  	[simem:s6], [sflag:s4] =	dma.local [hbm:s3], $0xF7A  }
0x26: {  	[smem:$0x3F9B] =	sst s1;
	(tag) =	ssettag s2;
	_ =	strace s9  }
0x27: {  	s1 =	sld [smem:$0x3FAB]  }
0x28: {  	s2 =	sld [smem:$0x3FAC]  }
0x29: {  	s4 =	sld [smem:$0x3FAE]  }
0x2a: {  	p0 =	seq.s32 s5, $0x0;
	s5 =	sld [smem:$0x3FAF]  }
0x2b: {  	s6 =	sld [smem:$0x3FB0]  }
0x2c: {  	s7 =	sld [smem:$0x3FB1]  }
0x2d: {  	s3 =	simm.s32 $0x108;
	s8 =	sld [smem:$0x3FB2]  }
0x2e: {  	s3 =	simm.s32 @!p0 $0x1082;
	s9 =	sld [smem:$0x3FB3]  }
0x2f: {  	lr =	sadd.s32 s0, s3;
	s0 =	sld [smem:$0x3FAA]  }
0x30: {  	s3 =	sld [smem:$0x3FAD]  }
0x31: {  	[smem:$0x3FB6] =	sst s10  }
0x32: {  	s10 =	sld [smem:$0x3FB4];
	_ =	sdelay $0x3  }
0x33: {  	p0 =	seq.s32 s10, $0x1;
	s10 =	sld [smem:$0x3FB6];
	_ =	sdelay $0x3  }
0x34: {  	[smem:$0x3FB6] =	sst s10  }
0x35: {  	s10 =	sld [smem:$0x3FB5];
	_ =	sdelay $0x3  }
0x36: {  	p1 =	seq.s32 s10, $0x1;
	s10 =	sld [smem:$0x3FB6];
	_ =	sdelay $0x3  }
0x37: {  	[smem:$0x3FB6] =	sst s10  }
0x38: {  	s10 =	sld [smem:$0x3FB7]  }
0x39: {  	_ = 	snop;
	(pc) =	sbr.ind lr, $3  }
0x3a: {  	_ = 	snop  }
0x3b: {  	_ = 	snop  }
0x3c: {  	p2 =	seq.s32 s10, $0x1;
	s10 =	sld [smem:$0x3FB6]  }
0x3d: {  	_ =	shalt  }
0x3e: {  	_ =	shalt  }
0x3f: {  	_ =	shalt  }
0x40: {  	_ =	shalt  }
0x41: {  	_ =	shalt  }
0x42: {  	_ =	shalt  }
0x43: {  	_ =	shalt  }
0x44: {  	_ =	shalt  }
0x45: {  	_ =	shalt  }
0x46: {  	_ =	shalt  }
0x47: {  	_ =	shalt  }
0x48: {  	_ =	shalt  }
0x49: {  	_ =	shalt  }
0x4a: {  	_ =	shalt  }
0x4b: {  	_ =	shalt  }
0x4c: {  	_ =	shalt  }
0x4d: {  	_ =	shalt  }
0x4e: {  	_ =	shalt  }
0x4f: {  	_ =	shalt  }
0x50: {  	_ =	shalt  }
0x51: {  	_ =	shalt  }
0x52: {  	_ =	shalt  }
0x53: {  	_ =	shalt  }
0x54: {  	_ =	shalt  }
0x55: {  	_ =	shalt  }
0x56: {  	_ =	shalt  }
0x57: {  	_ =	shalt  }
0x58: {  	_ =	shalt  }
0x59: {  	_ =	shalt  }
0x5a: {  	_ =	shalt  }
0x5b: {  	_ =	shalt  }
0x5c: {  	_ =	shalt  }
0x5d: {  	_ =	shalt  }
0x5e: {  	_ =	shalt  }
0x5f: {  	_ =	shalt  }
0x60: {  	_ =	shalt  }
0x61: {  	_ =	shalt  }
0x62: {  	_ =	shalt  }
0x63: {  	_ =	shalt  }
0x64: {  	_ =	shalt  }
0x65: {  	_ =	shalt  }
0x66: {  	_ =	shalt  }
0x67: {  	_ =	shalt  }
0x68: {  	_ =	shalt  }
0x69: {  	_ =	shalt  }
0x6a: {  	_ =	shalt  }
0x6b: {  	_ =	shalt  }
0x6c: {  	_ =	shalt  }
0x6d: {  	_ =	shalt  }
0x6e: {  	_ =	shalt  }
0x6f: {  	_ =	shalt  }
0x70: {  	_ =	shalt  }
0x71: {  	_ =	shalt  }
0x72: {  	_ =	shalt  }
0x73: {  	_ =	shalt  }
0x74: {  	_ =	shalt  }
0x75: {  	_ =	shalt  }
0x76: {  	_ =	shalt  }
0x77: {  	_ =	shalt  }
0x78: {  	_ =	shalt  }
0x79: {  	_ =	shalt  }
0x7a: {  	_ =	shalt  }
0x7b: {  	_ =	shalt  }
0x7c: {  	_ =	shalt  }
0x7d: {  	_ =	shalt  }
0x7e: {  	_ =	shalt  }
0x7f: {  	_ =	shalt  }
0x80: {  	_ =	shalt  }
0x81: {  	_ =	shalt  }
0x82: {  	_ =	shalt  }
0x83: {  	_ =	shalt  }
0x84: {  	_ =	shalt  }
0x85: {  	_ =	shalt  }
0x86: {  	_ =	shalt  }
0x87: {  	_ =	shalt  }
.Lfunc_end0:
.L_simem_size_0:
called_computation.1_lowered:
.L_overlay_start_0:
0x88: {  	s2 =	sld [smem:$0x3FD9]  }
0x89: {  	s3 =	sld [smem:$0x3FFE];
	_ =	sdelay $0x1  }
0x8a: {  	s1 =	srdreg.scid  }
0x8b: {  	s0 =	sand.u32 $0x1, s1  }
0x8c: {  	s16 =	sshll.u32 s0, $0xA;
	s2 =	sadd.s32 s3, s2  }
0x8d: {  	s2 =	sadd.s32 s2, s16  }
0x8e: {  	[smem:$0x3FC2] =	sst s2  }
0x8f: {  	_ = 	snop  }
0x90: {  	(tm) =	ssettm $0x1  }
0x91: {  	s17 =	sld [smem:$0x3FFB];
	_ =	sdelay $0x3  }
0x92: {  	_ =	strace s17  }
0x93: {  	s2 =	sld [smem:$0x3FFC];
	_ =	sdelay $0x3  }
0x94: {  	_ =	strace s2  }
0x95: {  	s2 =	sld [smem:$0x3FFD];
	_ =	sdelay $0x3  }
0x96: {  	_ =	strace s2  }
0x97: {  	_ =	strace $0x8FFFFFFF  }
0x98: {  	s18 =	sld [smem:$0x3FDB];
	_ =	sdelay $0x1  }
0x99: {  	s19 =	simm.s32 $_scs_section_size  }
0x9a: {  	s4 =	simm.s32 $_size__tile_overlayer_lowered;
	s5 =	simm.s32 $_tile_overlayer_lowered  }
0x9b: {  	s22 =	simm.s32 $0x1BFF;
	s21 =	sshll.u32 s5, $0x1;
	s2 =	sadd.s32 s19, s18  }
0x9c: {  	s6 =	simm.s32 $0x0;
	s20 =	sshll.u32 s4, $0x1;
	s4 =	sadd.s32 s21, s2  }
0x9d: {  	[timem:s6], [sflag:s22] =	dma.local [hbm:s4], s20  }
0x9e: {  	_ =	swait.ge [sflag:s22], s20  }
0x9f: {  	s3 =	ssub.s32 $0x0, s20;
	[sflag:s22] =	ssyncset.done $0x0  }
0xa0: {  	[sflag:s22] =	ssyncadd.s32 s3;
	_ =	sdelay $0x1  }
0xa1: {  	s23 =	simm.s32 $0x1B8B  }
0xa2: {  	_ =	swait.ge [sflag:s23], $0x1  }
0xa3: {  	[sflag:s23] =	ssyncset.done $0x0  }
0xa4: {  	s25 =	simm.s32 $0x1B8E;
	s24 =	sld [smem:$0x3FFE];
	[sflag:s23] =	ssyncadd.s32 $0xFFFFFFFF  }
0xa5: {  	s26 =	simm.s32 $execute0_lowered;
	[smem:$0x3FD2] =	sst s25  }
0xa6: {  	s4 =	sshll.u32 s26, $0x1;
	_ =	strace $0x80000049;
	[dreg:$0x1] =	wrdreg $0xFFFFFFFF  }
0xa7: {  	s28 =	simm.s32 $_size_execute0_lowered;
	s2 =	sadd.s32 s2, s4;
	[dreg:$0x0] =	wrdreg $0x0  }
0xa8: {  	s4 =	sshll.u32 s28, $0x1;
	[dreg:$0x2] =	wrdreg s2  }
0xa9: {  	[dreg:$0x3] =	wrdreg s4  }
0xaa: {  	[dreg:$0x4] =	wrdreg $0xC0  }
0xab: {  	_ =	task [dreg:s6], $0x5FFFF  }
0xac: {  	[dreg:$0x1] =	wrdreg $0xFFFFFFFF  }
0xad: {  	[dreg:$0x0] =	wrdreg $0x60  }
0xae: {  	[dreg:$0x2] =	wrdreg s24  }
0xaf: {  	[dreg:$0x3] =	wrdreg $0xC6200  }
0xb0: {  	[dreg:$0x4] =	wrdreg $0x9  }
0xb1: {  	_ =	task.clear_ibuf [dreg:s6], $0x5FFFF;
	_ =	strace $0x90000049  }
0xb2: {  	s29 =	simm.s32 $0x9;
	_ =	strace $0x8000004B  }
0xb3: {  	_ =	swait.ge [sflag:s29], $0x1  }
0xb4: {  	[sflag:s29] =	ssyncadd.s32 $0xFFFFFFFF  }
0xb5: {  	_ =	strace $0x9000004B  }
0xb6: {  	_ =	sfence  }
0xb7: {  	s30 =	sld [smem:$0x0];
	_ =	sdelay $0x2  }
0xb8: {  	s31 =	sshll.u32 s1, $0xD;
	s1 =	sshrl.u32 s1, $0x2  }
0xb9: {  	s3 =	sand.u32 $0x4000, s31;
	s1 =	sadd.s32 s1, s30  }
0xba: {  	s0 =	sor.u32 s3, s0;
	s1 =	sshll.u32 s1, $0x11  }
0xbb: {  	s0 =	sor.u32 s1, s0  }
0xbc: {  	s0 =	sadd.s32 $0x8F2B, s0  }
0xbd: {  	[sflag:s0] =	ssyncadd.remote.s32 $0x1  }
0xbe: {  	_ =	sfence.sel $0xFFFF  }
0xbf: {  	[dreg:$0x0] =	wrdreg $0xFFFFFFFF;
	(pc) =	sbr.abs _section_cstart, $3  }
0xc0: {  	[dreg:$0x1] =	wrdreg $0xFFFFFFFF  }
0xc1: {  	_ =	task.clear_ibuf [dreg:s6], $0x2FFFF;
	_ =	strace $0x9FFFFFFF  }
0xc2: {  	(tm) =	ssettm $0x7FFFFFFF  }
0xc3: {  	_ =	shalt  }
tec
execute0_lowered:
.L_overlay_start_1:
0x0: {  	(tag) =	ssettag $0x1  }
0x1: {  	s0 =	rddreg [dreg:$0x0];
	s8 =	stileid.u32  }
0x2: {  	s1 =	srdreg.scid;
	s2 =	rddreg [dreg:$0x1];
	s3 =	simm.s32 $0x0  }
0x3: {  	s16 =	simm.s32 $0x7;
	s18 =	simm.s32 $0x4E20;
	s19 =	simm.s32 $0x50  }
0x4: {  	s20 =	simm.s32 $0x7620;
	s22 =	simm.s32 $0x9E20;
	s24 =	simm.s32 $0x1  }
0x5: {  	s28 =	simm.s32 $0x3;
	s29 =	simm.s32 $0x4;
	s4 =	smul.u32 $0x4E2, s8  }
0x6: {  	s30 =	simm.s32 $0x5;
	s31 =	simm.s32 $0x6;
	s6 =	smul.u32 $0x4E400, s8  }
0x7: {  	s1 =	sand.u32 $0x1, s1;
	[smem:$0x7FF] =	sst s3;
	s9 =	smul.u32 $0x13880, s8  }
0x8: {  	s5 =	smul.u32 $0x27100, s1;
	s1 =	ssub.s32 $0x2, s1;
	_ =	strace $0x8000004A  }
0x9: {  	s7 =	sadd.s32 s4, s0;
	s25 =	sshrl.u32 s1, $0x1;
	s26 =	sshrl.u32 s6, $0x2  }
0xa: {  	s17 =	sshrl.u32 s9, $0x3;
	s21 =	sadd.s32 s9, s2;
	s0 =	sadd.s32 s5, s0  }
0xb: {  	s1 =	ssub.s32 s1, s25;
	s4 =	sadd.s32 $0x10A00, s7;
	s5 =	sadd.s32 s26, s2  }
0xc: {  	s6 =	sadd.s32 $0xBA00, s7;
	s25 =	sshrl.u32 s21, $0x3;
	s26 =	simm.s32 $0x2  }
0xd: {  	s21 =	simm.s32 $0x0;
	s7 =	sadd.s32 $0x11800, s5;
	s8 =	sadd.s32 $0x15A00, s0  }
0xe: {  	s0 =	sadd.s32 $0x63C00, s0;
	s9 =	smax.u32 s1, $0x1;
	s10 =	sadd.s32 $0x2800, s5  }
0xf: {  	s11 =	sadd.s32 $0x5000, s5;
	s12 =	sadd.s32 $0x7800, s5;
	s13 =	sadd.s32 $0xA000, s5  }
0x10: {  	v0 =	vimm.f32 $0.0e+00;
	s14 =	sadd.s32 $0xC800, s5;
	s15 =	sadd.s32 $0xF000, s5;
	s23 =	sadd.s32 s17, s0  }
.LBB2_1:
0x11: {  	[tilespmem:s3], [sflag:$0x7] =	stream.linear.gather [hbm4b:s4+s3], $0x2710, $0x38;
	[tilespmem:$0x1FF20] =	vst v63  }
0x12: {  	_ =	swait.ge [sflag:s16], $0x2710  }
0x13: {  	[sflag:s16] =	ssyncset.done $0x0  }
0x14: {  	s0 =	simm.s32 $0x2710;
	[sflag:s16] =	ssyncadd.s32 $0xFFFFD8F0  }
0x15: {  	[tilespmem:s0], [sflag:$0x7] =	stream.linear.gather [hbm4b:s6+s3], $0x2710, $0x38;
	[tilespmem:$0x1FF20] =	vst v63  }
0x16: {  	_ =	swait.ge [sflag:s16], $0x2710  }
0x17: {  	[sflag:s16] =	ssyncset.done $0x0  }
0x18: {  	s1 =	simm.s32 $0x70;
	s0 =	simm.s32 $0x3C0;
	[sflag:s16] =	ssyncadd.s32 $0xFFFFD8F0  }
.LBB2_2:
0x19: {  	p0 =	sne.s32 s0, $0x9FC0;
	[tilespmem:s1+$0x4E20] =	vst v0  }
0x1a: {  	[tilespmem:s1+$0x4DB0] =	vst v0  }
0x1b: {  	[tilespmem:s1+$0x4DC0] =	vst v0  }
.Ltmp0:
0x1c: {  	[tilespmem:s1+$0x4DD0] =	vst v0;
	(pc) =	sbr.rel @p0 .LBB2_2-.Ltmp0, $4  }
0x1d: {  	[tilespmem:s1+$0x4DE0] =	vst v0  }
0x1e: {  	[tilespmem:s1+$0x4DF0] =	vst v0  }
0x1f: {  	[tilespmem:s1+$0x4E00] =	vst v0  }
0x20: {  	[tilespmem:s1+$0x4E10] =	vst v0;
	s1 =	sshra.s32 s0, $0x2;
	s0 =	sadd.s32 $0x200, s0  }
0x21: {  	[tilespmem:s1+$0x4E20] =	vst v0  }
0x22: {  	[tilespmem:s1+$0x4DB0] =	vst v0  }
0x23: {  	[tilespmem:s1+$0x4DC0] =	vst v0  }
0x24: {  	[tilespmem:s1+$0x4DD0] =	vst v0  }
0x25: {  	[tilespmem:s1+$0x4DE0] =	vst v0  }
0x26: {  	[tilespmem:s1+$0x4DF0] =	vst v0  }
0x27: {  	[tilespmem:s1+$0x4E00] =	vst v0  }
0x28: {  	[tilespmem:s1+$0x4E10] =	vst v0  }
0x29: {  	[spmem:s5] =	stream.linear.scatter [tilespmem:s18], [sflag:$0x7], $0x2800, $0x38;
	[tilespmem:$0x1FF20] =	vst v63  }
0x2a: {  	_ =	swait.ge [sflag:s16], $0x2800  }
0x2b: {  	[sflag:s16] =	ssyncset.done $0x0  }
0x2c: {  	[sflag:s16] =	ssyncadd.s32 $0xFFFFD800  }
0x2d: {  	[spmem:s10] =	stream.linear.scatter [tilespmem:s18], [sflag:$0x7], $0x2800, $0x38;
	[tilespmem:$0x1FF20] =	vst v63  }
0x2e: {  	_ =	swait.ge [sflag:s16], $0x2800  }
0x2f: {  	[sflag:s16] =	ssyncset.done $0x0  }
0x30: {  	[sflag:s16] =	ssyncadd.s32 $0xFFFFD800  }
0x31: {  	[spmem:s11] =	stream.linear.scatter [tilespmem:s18], [sflag:$0x7], $0x2800, $0x38;
	[tilespmem:$0x1FF20] =	vst v63  }
0x32: {  	_ =	swait.ge [sflag:s16], $0x2800  }
0x33: {  	[sflag:s16] =	ssyncset.done $0x0  }
0x34: {  	[sflag:s16] =	ssyncadd.s32 $0xFFFFD800  }
0x35: {  	[spmem:s12] =	stream.linear.scatter [tilespmem:s18], [sflag:$0x7], $0x2800, $0x38;
	[tilespmem:$0x1FF20] =	vst v63  }
0x36: {  	_ =	swait.ge [sflag:s16], $0x2800  }
0x37: {  	[sflag:s16] =	ssyncset.done $0x0  }
0x38: {  	[sflag:s16] =	ssyncadd.s32 $0xFFFFD800  }
0x39: {  	[spmem:s13] =	stream.linear.scatter [tilespmem:s18], [sflag:$0x7], $0x2800, $0x38;
	[tilespmem:$0x1FF20] =	vst v63  }
0x3a: {  	_ =	swait.ge [sflag:s16], $0x2800  }
0x3b: {  	[sflag:s16] =	ssyncset.done $0x0  }
0x3c: {  	[sflag:s16] =	ssyncadd.s32 $0xFFFFD800  }
0x3d: {  	[spmem:s14] =	stream.linear.scatter [tilespmem:s18], [sflag:$0x7], $0x2800, $0x38;
	[tilespmem:$0x1FF20] =	vst v63  }
0x3e: {  	_ =	swait.ge [sflag:s16], $0x2800  }
0x3f: {  	[sflag:s16] =	ssyncset.done $0x0  }
0x40: {  	[sflag:s16] =	ssyncadd.s32 $0xFFFFD800  }
0x41: {  	[spmem:s15] =	stream.linear.scatter [tilespmem:s18], [sflag:$0x7], $0x2800, $0x38;
	[tilespmem:$0x1FF20] =	vst v63  }
0x42: {  	_ =	swait.ge [sflag:s16], $0x2800  }
0x43: {  	[sflag:s16] =	ssyncset.done $0x0  }
0x44: {  	[sflag:s16] =	ssyncadd.s32 $0xFFFFD800  }
0x45: {  	[spmem:s7] =	stream.linear.scatter [tilespmem:s18], [sflag:$0x7], $0x2100, $0x38;
	[tilespmem:$0x1FF20] =	vst v63  }
0x46: {  	_ =	swait.ge [sflag:s16], $0x2100  }
0x47: {  	[sflag:s16] =	ssyncset.done $0x0  }
0x48: {  	[sflag:s16] =	ssyncadd.s32 $0xFFFFDF00  }
0x49: {  	s0 =	simm.s32 $0x0;
	[bflag:$0x0] =	sbarrier.arrive $0xFFFF  }
0x4a: {  	[tilespmem:s18], [sflag:$0x1] =	stream.indirect.gather [hbm4b:s8+s19], $0x80, s0, s19, $0xb8;
	[tilespmem:$0x1FF20] =	vst v63  }
0x4b: {  	_ = 	snop  }
0x4c: {  	[tilespmem:s20], [sflag:$0x2] =	stream.indirect.gather [hbm4b:s8+s19], $0x80, s19, s19, $0xb8;
	[tilespmem:$0x1FF20] =	vst v63  }
0x4d: {  	s1 =	simm.s32 $0xA0  }
0x4e: {  	[tilespmem:s22], [sflag:$0x3] =	stream.indirect.gather [hbm4b:s8+s19], $0x80, s1, s19, $0xb8;
	[tilespmem:$0x1FF20] =	vst v63  }
0x4f: {  	_ =	swait.ge [sflag:s24], $0x2800  }
0x50: {  	[sflag:s24] =	ssyncset.done $0x0  }
0x51: {  	s17 =	simm.s32 $0x2710;
	[sflag:s24] =	ssyncadd.s32 $0xFFFFD800  }
0x52: {  	[spmem:s2] =	stream.indirect.scatter.add.f32 [tilespmem:s18], [sflag:$0x4], $0x80, s17, s19, $0xb8;
	[tilespmem:$0x1FF20] =	vst v63  }
0x53: {  	_ =	swait.ge [sflag:s26], $0x2800  }
0x54: {  	[sflag:s26] =	ssyncset.done $0x0  }
0x55: {  	s1 =	simm.s32 $0x2760;
	[sflag:s26] =	ssyncadd.s32 $0xFFFFD800  }
0x56: {  	[spmem:s2] =	stream.indirect.scatter.add.f32 [tilespmem:s20], [sflag:$0x5], $0x80, s1, s19, $0xb8;
	[tilespmem:$0x1FF20] =	vst v63  }
0x57: {  	_ =	swait.ge [sflag:s28], $0x2800  }
0x58: {  	[sflag:s28] =	ssyncset.done $0x0  }
0x59: {  	s17 =	simm.s32 $0x27B0;
	[sflag:s28] =	ssyncadd.s32 $0xFFFFD800  }
0x5a: {  	[spmem:s2] =	stream.indirect.scatter.add.f32 [tilespmem:s22], [sflag:$0x6], $0x80, s17, s19, $0xb8;
	[tilespmem:$0x1FF20] =	vst v63  }
0x5b: {  	_ =	swait.ge [sflag:s29], $0x2800  }
0x5c: {  	[sflag:s29] =	ssyncset.done $0x0  }
0x5d: {  	s1 =	simm.s32 $0xF0;
	[sflag:s29] =	ssyncadd.s32 $0xFFFFD800  }
0x5e: {  	[tilespmem:s18], [sflag:$0x1] =	stream.indirect.gather [hbm4b:s8+s19], $0x80, s1, s19, $0xb8;
	[tilespmem:$0x1FF20] =	vst v63  }
0x5f: {  	_ =	swait.ge [sflag:s30], $0x2800  }
0x60: {  	[sflag:s30] =	ssyncset.done $0x0  }
0x61: {  	s17 =	simm.s32 $0x140;
	[sflag:s30] =	ssyncadd.s32 $0xFFFFD800  }
0x62: {  	[tilespmem:s20], [sflag:$0x2] =	stream.indirect.gather [hbm4b:s8+s19], $0x80, s17, s19, $0xb8;
	[tilespmem:$0x1FF20] =	vst v63  }
0x63: {  	_ =	swait.ge [sflag:s31], $0x2800  }
0x64: {  	[sflag:s31] =	ssyncset.done $0x0  }
0x65: {  	s0 =	simm.s32 $0x190;
	s1 =	simm.s32 $0x3C0;
	[sflag:s31] =	ssyncadd.s32 $0xFFFFD800  }
.LBB2_4:
0x66: {  	[tilespmem:s22], [sflag:$0x3] =	stream.indirect.gather [hbm4b:s8+s19], $0x80, s0, s19, $0xb8;
	[tilespmem:$0x1FF20] =	vst v63  }
0x67: {  	s0 =	smov.u32 s1  }
0x68: {  	p0 =	sne.s32 s1, $0x9240;
	s1 =	sadd.s32 $0x3C0, s1;
	_ =	swait.ge [sflag:s24], $0x2800  }
0x69: {  	s0 =	sshra.s32 s0, $0x2;
	[sflag:s24] =	ssyncset.done $0x0  }
0x6a: {  	s17 =	sadd.s32 $0x2710, s0;
	[sflag:s24] =	ssyncadd.s32 $0xFFFFD800  }
0x6b: {  	[spmem:s2] =	stream.indirect.scatter.add.f32 [tilespmem:s18], [sflag:$0x4], $0x80, s17, s19, $0xb8;
	[tilespmem:$0x1FF20] =	vst v63  }
0x6c: {  	_ =	swait.ge [sflag:s26], $0x2800  }
0x6d: {  	[sflag:s26] =	ssyncset.done $0x0  }
0x6e: {  	s17 =	sadd.s32 $0x2760, s0;
	[sflag:s26] =	ssyncadd.s32 $0xFFFFD800  }
0x6f: {  	[spmem:s2] =	stream.indirect.scatter.add.f32 [tilespmem:s20], [sflag:$0x5], $0x80, s17, s19, $0xb8;
	[tilespmem:$0x1FF20] =	vst v63  }
0x70: {  	_ =	swait.ge [sflag:s28], $0x2800  }
0x71: {  	[sflag:s28] =	ssyncset.done $0x0  }
0x72: {  	s17 =	sadd.s32 $0x27B0, s0;
	[sflag:s28] =	ssyncadd.s32 $0xFFFFD800  }
0x73: {  	[spmem:s2] =	stream.indirect.scatter.add.f32 [tilespmem:s22], [sflag:$0x6], $0x80, s17, s19, $0xb8;
	[tilespmem:$0x1FF20] =	vst v63  }
0x74: {  	_ =	swait.ge [sflag:s29], $0x2800  }
0x75: {  	[sflag:s29] =	ssyncset.done $0x0  }
0x76: {  	s17 =	sadd.s32 $0xF0, s0;
	[sflag:s29] =	ssyncadd.s32 $0xFFFFD800  }
0x77: {  	[tilespmem:s18], [sflag:$0x1] =	stream.indirect.gather [hbm4b:s8+s19], $0x80, s17, s19, $0xb8;
	[tilespmem:$0x1FF20] =	vst v63  }
0x78: {  	_ =	swait.ge [sflag:s30], $0x2800  }
0x79: {  	[sflag:s30] =	ssyncset.done $0x0  }
.Ltmp1:
0x7a: {  	s17 =	sadd.s32 $0x140, s0;
	[sflag:s30] =	ssyncadd.s32 $0xFFFFD800;
	(pc) =	sbr.rel @p0 .LBB2_4-.Ltmp1, $4  }
0x7b: {  	[tilespmem:s20], [sflag:$0x2] =	stream.indirect.gather [hbm4b:s8+s19], $0x80, s17, s19, $0xb8;
	[tilespmem:$0x1FF20] =	vst v63  }
0x7c: {  	_ =	swait.ge [sflag:s31], $0x2800  }
0x7d: {  	[sflag:s31] =	ssyncset.done $0x0  }
0x7e: {  	s0 =	sadd.s32 $0x190, s0;
	[sflag:s31] =	ssyncadd.s32 $0xFFFFD800  }
0x7f: {  	[tilespmem:s22], [sflag:$0x3] =	stream.indirect.gather [hbm4b:s8+s19], $0x80, s0, s19, $0xb8;
	[tilespmem:$0x1FF20] =	vst v63  }
0x80: {  	_ =	swait.ge [sflag:s24], $0x2800  }
0x81: {  	[sflag:s24] =	ssyncset.done $0x0  }
0x82: {  	s1 =	simm.s32 $0x4C90;
	[sflag:s24] =	ssyncadd.s32 $0xFFFFD800  }
0x83: {  	[spmem:s2] =	stream.indirect.scatter.add.f32 [tilespmem:s18], [sflag:$0x4], $0x80, s1, s19, $0xb8;
	[tilespmem:$0x1FF20] =	vst v63  }
0x84: {  	_ =	swait.ge [sflag:s26], $0x2800  }
0x85: {  	[sflag:s26] =	ssyncset.done $0x0  }
0x86: {  	s17 =	simm.s32 $0x4CE0;
	[sflag:s26] =	ssyncadd.s32 $0xFFFFD800  }
0x87: {  	[spmem:s2] =	stream.indirect.scatter.add.f32 [tilespmem:s20], [sflag:$0x5], $0x80, s17, s19, $0xb8;
	[tilespmem:$0x1FF20] =	vst v63  }
0x88: {  	_ =	swait.ge [sflag:s28], $0x2800  }
0x89: {  	[sflag:s28] =	ssyncset.done $0x0  }
0x8a: {  	s1 =	simm.s32 $0x4D30;
	[sflag:s28] =	ssyncadd.s32 $0xFFFFD800  }
0x8b: {  	[spmem:s2] =	stream.indirect.scatter.add.f32 [tilespmem:s22], [sflag:$0x6], $0x80, s1, s19, $0xb8;
	[tilespmem:$0x1FF20] =	vst v63  }
0x8c: {  	_ =	swait.ge [sflag:s29], $0x2800  }
0x8d: {  	[sflag:s29] =	ssyncset.done $0x0  }
0x8e: {  	s17 =	simm.s32 $0x2670;
	[sflag:s29] =	ssyncadd.s32 $0xFFFFD800  }
0x8f: {  	[tilespmem:s18], [sflag:$0x1] =	stream.indirect.gather [hbm4b:s8+s19], $0x80, s17, s19, $0xb8;
	[tilespmem:$0x1FF20] =	vst v63  }
0x90: {  	_ =	swait.ge [sflag:s30], $0x2800  }
0x91: {  	[sflag:s30] =	ssyncset.done $0x0  }
0x92: {  	s1 =	simm.s32 $0x26C0;
	[sflag:s30] =	ssyncadd.s32 $0xFFFFD800  }
0x93: {  	[tilespmem:s20], [sflag:$0x2] =	stream.indirect.gather [hbm4b:s8+s19], $0x80, s1, s19, $0xb8;
	[tilespmem:$0x1FF20] =	vst v63  }
0x94: {  	_ =	swait.ge [sflag:s31], $0x2800  }
0x95: {  	[sflag:s31] =	ssyncset.done $0x0  }
0x96: {  	[sflag:s31] =	ssyncadd.s32 $0xFFFFD800  }
0x97: {  	_ =	swait.ge [sflag:s24], $0x2800  }
0x98: {  	[sflag:s24] =	ssyncset.done $0x0  }
0x99: {  	s17 =	simm.s32 $0x4D80;
	[sflag:s24] =	ssyncadd.s32 $0xFFFFD800  }
0x9a: {  	[spmem:s2] =	stream.indirect.scatter.add.f32 [tilespmem:s18], [sflag:$0x4], $0x80, s17, s19, $0xb8;
	[tilespmem:$0x1FF20] =	vst v63  }
0x9b: {  	_ =	swait.ge [sflag:s26], $0x2800  }
0x9c: {  	[sflag:s26] =	ssyncset.done $0x0  }
0x9d: {  	s1 =	simm.s32 $0x4DD0;
	[sflag:s26] =	ssyncadd.s32 $0xFFFFD800  }
0x9e: {  	[spmem:s2] =	stream.indirect.scatter.add.f32 [tilespmem:s20], [sflag:$0x5], $0x80, s1, s19, $0xb8;
	[tilespmem:$0x1FF20] =	vst v63  }
0x9f: {  	_ =	swait.ge [sflag:s29], $0x2800  }
0xa0: {  	[sflag:s29] =	ssyncset.done $0x0  }
0xa1: {  	[sflag:s29] =	ssyncadd.s32 $0xFFFFD800  }
0xa2: {  	_ =	swait.ge [sflag:s30], $0x2800  }
0xa3: {  	s21 =	sadd.s32 $0x1, s21;
	s17 =	stileid.u32;
	[sflag:s30] =	ssyncset.done $0x0  }
0xa4: {  	p0 =	sne.s32 s21, s9;
	s0 =	sshll.u32 s17, $0x6;
	[sflag:s30] =	ssyncadd.s32 $0xFFFFD800  }
.Ltmp2:
0xa5: {  	s0 =	sor.u32 $0x1C07, s0;
	[bflag:$0x0] =	sbarrier.arrive $0xFFFF;
	(pc) =	sbr.rel @p0 .LBB2_1-.Ltmp2, $4  }
0xa6: {  	[hbm:s23], [sflag:s0] =	dma.local [spmem:s25], $0x2710  }
0xa7: {  	_ =	swait.ge [sflag:s16], $0x2710  }
0xa8: {  	[sflag:s16] =	ssyncset.done $0x0  }
0xa9: {  	[sflag:s16] =	ssyncadd.s32 $0xFFFFD8F0  }
0xaa: {  	_ =	sfence.sel $0x180000  }
0xab: {  	[bflag:$0x0] =	sbarrier.arrive $0xFFFF  }
0xac: {  	_ =	strace $0x9000004A  }
0xad: {  	s0 =	stileid.u32;
	[bflag:$0x2] =	sbarrier.arrive $0xFFFF  }
0xae: {  	p0 =	sne.s32 s0, $0x0;
	s0 =	rddreg [dreg:$0x2]  }
0xaf: {  	s0 =	sadd.s32 @!p0 $0x100000, s0  }
0xb0: {  	[sflag:s0] =	ssyncadd.tile.s32 @!p0 $0x1;
	_ =	shalt  }
.Lfunc_end2:
_tile_overlayer_lowered:
.L_overlay_start_2:
0xb1: {  	(tag) =	ssettag $0x2  }
0xb2: {  	s0 =	rddreg [dreg:$0x0];
	s2 =	stileid.u32  }
0xb3: {  	s1 =	rddreg [dreg:$0x1];
	p0 =	sne.s32 s2, $0x0  }
0xb4: {  	s3 =	rddreg [dreg:$0x2];
	[bflag:$0x3] =	sbarrier.arrive $0xFFFF;
	s2 =	simm.s32 @!p0 $0x1C07  }
0xb5: {  	[timem:s3], [sflag:s2] =	dma.local @!p0 [hbm:s0], s1  }
0xb6: {  	s0 =	simm.s32 @!p0 $0x7  }
0xb7: {  	_ =	swait.ge @!p0 [sflag:s0], s1  }
0xb8: {  	s1 =	ssub.s32 @!p0 $0x0, s1;
	[sflag:s0] =	ssyncset.done @!p0 $0x0  }
0xb9: {  	[sflag:s0] =	ssyncadd.s32 @!p0 s1  }
0xba: {  	[bflag:$0x3] =	sbarrier.arrive $0xFFFF  }
0xbb: {  	_ =	shalt  }

// kernel: kernel.15.cloned.1.call-start
scs
__scs_entry_jumppad:
0x0: {  	(pc) =	sbr.rel $0x88, $3  }
0x1: {  	(tag) =	ssettag $0x0;
	lr =	simm.s32 $0x1  }
0x2: {  	[smem:$0x3F9B] =	sst lr;
	_ =	strace $0xD0000000  }
0x3: {  	_ = 	snop  }
0x4: {  	_ = 	snop  }
0x5: {  	_ = 	snop  }
0x6: {  	_ = 	snop  }
0x7: {  	_ = 	snop  }
__scs_overlays_trampoline_lowered:
0x8: {  	[smem:$0x3FAA] =	sst s0  }
0x9: {  	[smem:$0x3FAB] =	sst s1  }
0xa: {  	[smem:$0x3FAC] =	sst s2  }
0xb: {  	[smem:$0x3FAD] =	sst s3  }
0xc: {  	[smem:$0x3FAE] =	sst s4  }
0xd: {  	[smem:$0x3FAF] =	sst s5  }
0xe: {  	[smem:$0x3FB0] =	sst s6  }
0xf: {  	[smem:$0x3FB1] =	sst s7  }
0x10: {  	[smem:$0x3FB2] =	sst s8  }
0x11: {  	[smem:$0x3FB3] =	sst s9;
	s0 =	simm.s32 @!p0 $0x0  }
0x12: {  	s1 =	sld [smem:$0x3F99];
	s0 =	simm.s32 @p0 $0x1  }
0x13: {  	[smem:$0x3FB4] =	sst s0;
	s0 =	simm.s32 @!p1 $0x0  }
0x14: {  	s2 =	sld [smem:$0x3F98];
	s0 =	simm.s32 @p1 $0x1  }
0x15: {  	[smem:$0x3FB5] =	sst s0;
	s0 =	simm.s32 @!p2 $0x0  }
0x16: {  	s3 =	sld [smem:$0x3FDB];
	s0 =	simm.s32 @p2 $0x1  }
0x17: {  	s4 =	simm.s32 $0x1BF5;
	[smem:$0x3FB7] =	sst s0  }
0x18: {  	s0 =	sld [smem:$0x3F9A];
	_ =	swait.ge [sflag:s4], $0x0  }
0x19: {  	s7 =	sld [smem:$0x3F9B]  }
0x1a: {  	s8 =	sadd.s32 $0xFFFFE003, lr  }
0x1b: {  	s9 =	sadd.s32 $0xFFFFFEF7, lr;
	s5 =	simm.s32 $0xFFFFFFFF;
	p2 =	slt.u32 s8, $0xFFFFF086  }
0x1c: {  	p1 =	slt.u32 s9, $0xF7A;
	s5 =	simm.s32 @!p2 $0x0  }
0x1d: {  	s5 =	simm.s32 @p1 $0x1;
	p0 =	seq.s32 s7, s2  }
0x1e: {  	s7 =	smul.u32 @!p0 $0xF7A, s2;
	p2 =	seq.s32 @!p0 s5, $0x0  }
0x1f: {  	s9 =	smul.u32 $0xF7A, s1;
	s8 =	simm.s32 @!p0 $0x1BF5;
	p2 =	por !p2, p0  }
0x20: {  	[sflag:s8] =	ssyncset.s32 @!p0 $0xFFFFF086;
	s6 =	sadd.s32 @!p0 s3, s7;
	s7 =	simm.s32 @!p0 $0x108  }
0x21: {  	s3 =	sadd.s32 s3, s9;
	s6 =	sadd.s32 @!p0 $0x88, s6;
	s7 =	simm.s32 @p2 $0x1082  }
0x22: {  	[simem:s7], [sflag:s8] =	dma.local @!p0 [hbm:s6], $0xF7A  }
0x23: {  	s9 =	sor.u32 $0xD0000000, s2;
	s6 =	simm.s32 $0x108;
	_ =	swait.ge @!p0 [sflag:s8], $0x0  }
0x24: {  	s3 =	sadd.s32 $0x88, s3;
	s6 =	simm.s32 @!p1 $0x1082;
	[sflag:s4] =	ssyncset.s32 $0xFFFFF086  }
0x25: {  	[simem:s6], [sflag:s4] =	dma.local [hbm:s3], $0xF7A  }
0x26: {  	[smem:$0x3F9B] =	sst s1;
	(tag) =	ssettag s2;
	_ =	strace s9  }
0x27: {  	s1 =	sld [smem:$0x3FAB]  }
0x28: {  	s2 =	sld [smem:$0x3FAC]  }
0x29: {  	s4 =	sld [smem:$0x3FAE]  }
0x2a: {  	p0 =	seq.s32 s5, $0x0;
	s5 =	sld [smem:$0x3FAF]  }
0x2b: {  	s6 =	sld [smem:$0x3FB0]  }
0x2c: {  	s7 =	sld [smem:$0x3FB1]  }
0x2d: {  	s3 =	simm.s32 $0x108;
	s8 =	sld [smem:$0x3FB2]  }
0x2e: {  	s3 =	simm.s32 @!p0 $0x1082;
	s9 =	sld [smem:$0x3FB3]  }
0x2f: {  	lr =	sadd.s32 s0, s3;
	s0 =	sld [smem:$0x3FAA]  }
0x30: {  	s3 =	sld [smem:$0x3FAD]  }
0x31: {  	[smem:$0x3FB6] =	sst s10  }
0x32: {  	s10 =	sld [smem:$0x3FB4];
	_ =	sdelay $0x3  }
0x33: {  	p0 =	seq.s32 s10, $0x1;
	s10 =	sld [smem:$0x3FB6];
	_ =	sdelay $0x3  }
0x34: {  	[smem:$0x3FB6] =	sst s10  }
0x35: {  	s10 =	sld [smem:$0x3FB5];
	_ =	sdelay $0x3  }
0x36: {  	p1 =	seq.s32 s10, $0x1;
	s10 =	sld [smem:$0x3FB6];
	_ =	sdelay $0x3  }
0x37: {  	[smem:$0x3FB6] =	sst s10  }
0x38: {  	s10 =	sld [smem:$0x3FB7]  }
0x39: {  	_ = 	snop;
	(pc) =	sbr.ind lr, $3  }
0x3a: {  	_ = 	snop  }
0x3b: {  	_ = 	snop  }
0x3c: {  	p2 =	seq.s32 s10, $0x1;
	s10 =	sld [smem:$0x3FB6]  }
0x3d: {  	_ =	shalt  }
0x3e: {  	_ =	shalt  }
0x3f: {  	_ =	shalt  }
0x40: {  	_ =	shalt  }
0x41: {  	_ =	shalt  }
0x42: {  	_ =	shalt  }
0x43: {  	_ =	shalt  }
0x44: {  	_ =	shalt  }
0x45: {  	_ =	shalt  }
0x46: {  	_ =	shalt  }
0x47: {  	_ =	shalt  }
0x48: {  	_ =	shalt  }
0x49: {  	_ =	shalt  }
0x4a: {  	_ =	shalt  }
0x4b: {  	_ =	shalt  }
0x4c: {  	_ =	shalt  }
0x4d: {  	_ =	shalt  }
0x4e: {  	_ =	shalt  }
0x4f: {  	_ =	shalt  }
0x50: {  	_ =	shalt  }
0x51: {  	_ =	shalt  }
0x52: {  	_ =	shalt  }
0x53: {  	_ =	shalt  }
0x54: {  	_ =	shalt  }
0x55: {  	_ =	shalt  }
0x56: {  	_ =	shalt  }
0x57: {  	_ =	shalt  }
0x58: {  	_ =	shalt  }
0x59: {  	_ =	shalt  }
0x5a: {  	_ =	shalt  }
0x5b: {  	_ =	shalt  }
0x5c: {  	_ =	shalt  }
0x5d: {  	_ =	shalt  }
0x5e: {  	_ =	shalt  }
0x5f: {  	_ =	shalt  }
0x60: {  	_ =	shalt  }
0x61: {  	_ =	shalt  }
0x62: {  	_ =	shalt  }
0x63: {  	_ =	shalt  }
0x64: {  	_ =	shalt  }
0x65: {  	_ =	shalt  }
0x66: {  	_ =	shalt  }
0x67: {  	_ =	shalt  }
0x68: {  	_ =	shalt  }
0x69: {  	_ =	shalt  }
0x6a: {  	_ =	shalt  }
0x6b: {  	_ =	shalt  }
0x6c: {  	_ =	shalt  }
0x6d: {  	_ =	shalt  }
0x6e: {  	_ =	shalt  }
0x6f: {  	_ =	shalt  }
0x70: {  	_ =	shalt  }
0x71: {  	_ =	shalt  }
0x72: {  	_ =	shalt  }
0x73: {  	_ =	shalt  }
0x74: {  	_ =	shalt  }
0x75: {  	_ =	shalt  }
0x76: {  	_ =	shalt  }
0x77: {  	_ =	shalt  }
0x78: {  	_ =	shalt  }
0x79: {  	_ =	shalt  }
0x7a: {  	_ =	shalt  }
0x7b: {  	_ =	shalt  }
0x7c: {  	_ =	shalt  }
0x7d: {  	_ =	shalt  }
0x7e: {  	_ =	shalt  }
0x7f: {  	_ =	shalt  }
0x80: {  	_ =	shalt  }
0x81: {  	_ =	shalt  }
0x82: {  	_ =	shalt  }
0x83: {  	_ =	shalt  }
0x84: {  	_ =	shalt  }
0x85: {  	_ =	shalt  }
0x86: {  	_ =	shalt  }
0x87: {  	_ =	shalt  }
.Lfunc_end0:
.L_simem_size_0:
called_computation.2_lowered:
.L_overlay_start_0:
0x88: {  	s2 =	sld [smem:$0x3FD9]  }
0x89: {  	s3 =	sld [smem:$0x3FFE];
	_ =	sdelay $0x1  }
0x8a: {  	s1 =	srdreg.scid  }
0x8b: {  	s0 =	sand.u32 $0x1, s1  }
0x8c: {  	s17 =	sshll.u32 s0, $0xA;
	s2 =	sadd.s32 s3, s2  }
0x8d: {  	s2 =	sadd.s32 s2, s17  }
0x8e: {  	[smem:$0x3FC2] =	sst s2  }
0x8f: {  	_ = 	snop  }
0x90: {  	s2 =	sld [smem:$0x3FD0];
	(tm) =	ssettm $0x1  }
0x91: {  	s18 =	sld [smem:$0x3FFB];
	_ =	sdelay $0x3  }
0x92: {  	_ =	strace s18  }
0x93: {  	s3 =	sld [smem:$0x3FFC];
	_ =	sdelay $0x3  }
0x94: {  	_ =	strace s3  }
0x95: {  	s3 =	sld [smem:$0x3FFD];
	_ =	sdelay $0x3  }
0x96: {  	_ =	strace s3  }
0x97: {  	_ =	strace $0x8FFFFFFF  }
0x98: {  	s19 =	sld [smem:$0x3FDB];
	_ =	sdelay $0x1  }
0x99: {  	s4 =	simm.s32 $_scs_section_size  }
0x9a: {  	s5 =	simm.s32 $_size__tile_overlayer_lowered;
	s6 =	simm.s32 $_tile_overlayer_lowered  }
0x9b: {  	s22 =	simm.s32 $0x1BFF;
	s21 =	sshll.u32 s6, $0x1;
	s3 =	sadd.s32 s4, s19  }
0x9c: {  	s7 =	simm.s32 $0x0;
	s20 =	sshll.u32 s5, $0x1;
	s5 =	sadd.s32 s21, s3  }
0x9d: {  	[timem:s7], [sflag:s22] =	dma.local [hbm:s5], s20  }
0x9e: {  	_ =	swait.ge [sflag:s22], s20  }
0x9f: {  	s4 =	ssub.s32 $0x0, s20;
	[sflag:s22] =	ssyncset.done $0x0  }
0xa0: {  	[sflag:s22] =	ssyncadd.s32 s4;
	_ =	sdelay $0x1  }
0xa1: {  	s23 =	simm.s32 $0x1B8B  }
0xa2: {  	_ =	swait.ge [sflag:s23], $0x1  }
0xa3: {  	[sflag:s23] =	ssyncset.done $0x0  }
0xa4: {  	s25 =	simm.s32 $0x1B8E;
	s24 =	sld [smem:$0x3FFE];
	[sflag:s23] =	ssyncadd.s32 $0xFFFFFFFF  }
0xa5: {  	s26 =	simm.s32 $execute0_lowered;
	[smem:$0x3FD2] =	sst s25  }
0xa6: {  	s5 =	sshll.u32 s26, $0x1;
	_ =	strace $0x8000004C;
	[dreg:$0x1] =	wrdreg $0xFFFFFFFF  }
0xa7: {  	s28 =	simm.s32 $_size_execute0_lowered;
	s3 =	sadd.s32 s3, s5;
	[dreg:$0x0] =	wrdreg $0x0  }
0xa8: {  	s5 =	sshll.u32 s28, $0x1;
	[dreg:$0x2] =	wrdreg s3  }
0xa9: {  	[dreg:$0x3] =	wrdreg s5  }
0xaa: {  	[dreg:$0x4] =	wrdreg $0xC0  }
0xab: {  	_ =	task [dreg:s7], $0x5FFFF  }
0xac: {  	[dreg:$0x1] =	wrdreg $0xFFFFFFFF  }
0xad: {  	[dreg:$0x0] =	wrdreg $0x60  }
0xae: {  	[dreg:$0x2] =	wrdreg s2  }
0xaf: {  	[dreg:$0x3] =	wrdreg s24  }
0xb0: {  	[dreg:$0x4] =	wrdreg $0xBEA00  }
0xb1: {  	[dreg:$0x5] =	wrdreg $0x9  }
0xb2: {  	_ =	task.clear_ibuf [dreg:s7], $0x6FFFF;
	_ =	strace $0x9000004C  }
0xb3: {  	s29 =	simm.s32 $0x9;
	_ =	strace $0x8000004E  }
0xb4: {  	_ =	swait.ge [sflag:s29], $0x1  }
0xb5: {  	[sflag:s29] =	ssyncadd.s32 $0xFFFFFFFF  }
0xb6: {  	_ =	strace $0x9000004E  }
0xb7: {  	_ =	sfence  }
0xb8: {  	s30 =	sld [smem:$0x0];
	_ =	sdelay $0x2  }
0xb9: {  	s31 =	sshll.u32 s1, $0xD;
	s1 =	sshrl.u32 s1, $0x2  }
0xba: {  	s3 =	sand.u32 $0x4000, s31;
	s1 =	sadd.s32 s1, s30  }
0xbb: {  	s0 =	sor.u32 s3, s0;
	s1 =	sshll.u32 s1, $0x11  }
0xbc: {  	s0 =	sor.u32 s1, s0  }
0xbd: {  	s0 =	sadd.s32 $0x8F2B, s0  }
0xbe: {  	[sflag:s0] =	ssyncadd.remote.s32 $0x1  }
0xbf: {  	_ =	sfence.sel $0xFFFF  }
0xc0: {  	[dreg:$0x0] =	wrdreg $0xFFFFFFFF;
	(pc) =	sbr.abs _section_cstart, $3  }
0xc1: {  	[dreg:$0x1] =	wrdreg $0xFFFFFFFF  }
0xc2: {  	_ =	task.clear_ibuf [dreg:s7], $0x2FFFF;
	_ =	strace $0x9FFFFFFF  }
0xc3: {  	(tm) =	ssettm $0x7FFFFFFF  }
tec
execute0_lowered:
.L_overlay_start_1:
0x0: {  	(tag) =	ssettag $0x1  }
0x1: {  	s0 =	srdreg.scid;
	s1 =	rddreg [dreg:$0x0]  }
0x2: {  	s8 =	stileid.u32;
	s5 =	rddreg [dreg:$0x1]  }
0x3: {  	s3 =	rddreg [dreg:$0x2];
	s4 =	simm.s32 $0x0;
	s15 =	simm.s32 $0x7  }
0x4: {  	s17 =	simm.s32 $0x28A0;
	s18 =	simm.s32 $0x64;
	s20 =	simm.s32 $0x5AA0  }
0x5: {  	s22 =	simm.s32 $0x8CA0;
	s28 =	simm.s32 $0x3;
	s29 =	simm.s32 $0x4  }
0x6: {  	s30 =	simm.s32 $0x5;
	s31 =	simm.s32 $0x6;
	s7 =	smul.u32 $0x4E400, s8  }
0x7: {  	s0 =	sand.u32 $0x1, s0;
	[smem:$0x7FF] =	sst s4;
	s10 =	smul.u32 $0x13880, s8  }
0x8: {  	s2 =	sshll.u32 s0, $0x4;
	s6 =	smul.u32 $0x27100, s0;
	s0 =	ssub.s32 $0x2, s0  }
0x9: {  	_ =	strace $0x8000004D;
	s2 =	sor.u32 s8, s2;
	s24 =	sshrl.u32 s0, $0x1  }
0xa: {  	s25 =	sshrl.u32 s7, $0x2;
	s16 =	sshrl.u32 s10, $0x3;
	s19 =	sadd.s32 s10, s3  }
0xb: {  	s2 =	smul.u32 $0x28A, s2;
	s9 =	sadd.s32 s6, s5;
	s0 =	ssub.s32 s0, s24  }
0xc: {  	s24 =	simm.s32 $0x1;
	s26 =	sadd.s32 $0x6E00, s9;
	s9 =	smax.u32 s0, $0x1  }
0xd: {  	s0 =	simm.s32 $0x2838;
	s2 =	sadd.s32 s2, s5;
	s5 =	sadd.s32 s25, s3  }
0xe: {  	s23 =	sadd.s32 s16, s26;
	s25 =	sshrl.u32 s19, $0x3;
	s26 =	simm.s32 $0x2  }
0xf: {  	s16 =	simm.s32 $0x0;
	s6 =	sadd.s32 $0xB1E00, s2;
	s7 =	sadd.s32 $0x1C00, s2  }
0x10: {  	s8 =	sadd.s32 $0x12C00, s5;
	s10 =	sadd.s32 $0x3200, s5;
	s11 =	sadd.s32 $0x6400, s5  }
0x11: {  	v0 =	vimm.f32 $0.0e+00;
	s12 =	sadd.s32 $0x9600, s5;
	s13 =	sadd.s32 $0xC800, s5;
	s14 =	sadd.s32 $0xFA00, s5  }
.LBB2_1:
0x12: {  	[tilespmem:s4], [sflag:$0x7] =	stream.linear.gather [hbm4b:s6+s4], $0x1450, $0x38;
	[tilespmem:$0x1F7A0] =	vst v63  }
0x13: {  	_ =	swait.ge [sflag:s15], $0x1450  }
0x14: {  	[sflag:s15] =	ssyncset.done $0x0  }
0x15: {  	s2 =	simm.s32 $0x1450;
	[sflag:s15] =	ssyncadd.s32 $0xFFFFEBB0  }
0x16: {  	[tilespmem:s2], [sflag:$0x7] =	stream.linear.gather [hbm4b:s7+s4], $0x1450, $0x38;
	[tilespmem:$0x1F7A0] =	vst v63  }
0x17: {  	_ =	swait.ge [sflag:s15], $0x1450  }
0x18: {  	[sflag:s15] =	ssyncset.done $0x0  }
0x19: {  	s19 =	simm.s32 $0x70;
	s21 =	simm.s32 $0x3C0;
	[sflag:s15] =	ssyncadd.s32 $0xFFFFEBB0  }
.LBB2_2:
0x1a: {  	p0 =	sne.s32 s21, $0xC7C0;
	[tilespmem:s19+$0x28A0] =	vst v0  }
0x1b: {  	[tilespmem:s19+$0x2830] =	vst v0  }
0x1c: {  	[tilespmem:s19+$0x2840] =	vst v0  }
.Ltmp0:
0x1d: {  	[tilespmem:s19+$0x2850] =	vst v0;
	(pc) =	sbr.rel @p0 .LBB2_2-.Ltmp0, $4  }
0x1e: {  	[tilespmem:s19+$0x2860] =	vst v0  }
0x1f: {  	[tilespmem:s19+$0x2870] =	vst v0  }
0x20: {  	[tilespmem:s19+$0x2880] =	vst v0  }
0x21: {  	[tilespmem:s19+$0x2890] =	vst v0;
	s19 =	sshra.s32 s21, $0x2;
	s21 =	sadd.s32 $0x200, s21  }
0x22: {  	[tilespmem:s19+$0x28A0] =	vst v0  }
0x23: {  	[tilespmem:s19+$0x2830] =	vst v0  }
0x24: {  	[tilespmem:s19+$0x2840] =	vst v0  }
0x25: {  	[tilespmem:s19+$0x2850] =	vst v0  }
0x26: {  	[tilespmem:s19+$0x2860] =	vst v0  }
0x27: {  	[tilespmem:s19+$0x2870] =	vst v0  }
0x28: {  	[tilespmem:s19+$0x2880] =	vst v0  }
0x29: {  	[tilespmem:s19+$0x2890] =	vst v0  }
0x2a: {  	[spmem:s5] =	stream.linear.scatter [tilespmem:s17], [sflag:$0x7], $0x3200, $0x38;
	[tilespmem:$0x1F7A0] =	vst v63  }
0x2b: {  	_ =	swait.ge [sflag:s15], $0x3200  }
0x2c: {  	[sflag:s15] =	ssyncset.done $0x0  }
0x2d: {  	[sflag:s15] =	ssyncadd.s32 $0xFFFFCE00  }
0x2e: {  	[spmem:s10] =	stream.linear.scatter [tilespmem:s17], [sflag:$0x7], $0x3200, $0x38;
	[tilespmem:$0x1F7A0] =	vst v63  }
0x2f: {  	_ =	swait.ge [sflag:s15], $0x3200  }
0x30: {  	[sflag:s15] =	ssyncset.done $0x0  }
0x31: {  	[sflag:s15] =	ssyncadd.s32 $0xFFFFCE00  }
0x32: {  	[spmem:s11] =	stream.linear.scatter [tilespmem:s17], [sflag:$0x7], $0x3200, $0x38;
	[tilespmem:$0x1F7A0] =	vst v63  }
0x33: {  	_ =	swait.ge [sflag:s15], $0x3200  }
0x34: {  	[sflag:s15] =	ssyncset.done $0x0  }
0x35: {  	[sflag:s15] =	ssyncadd.s32 $0xFFFFCE00  }
0x36: {  	[spmem:s12] =	stream.linear.scatter [tilespmem:s17], [sflag:$0x7], $0x3200, $0x38;
	[tilespmem:$0x1F7A0] =	vst v63  }
0x37: {  	_ =	swait.ge [sflag:s15], $0x3200  }
0x38: {  	[sflag:s15] =	ssyncset.done $0x0  }
0x39: {  	[sflag:s15] =	ssyncadd.s32 $0xFFFFCE00  }
0x3a: {  	[spmem:s13] =	stream.linear.scatter [tilespmem:s17], [sflag:$0x7], $0x3200, $0x38;
	[tilespmem:$0x1F7A0] =	vst v63  }
0x3b: {  	_ =	swait.ge [sflag:s15], $0x3200  }
0x3c: {  	[sflag:s15] =	ssyncset.done $0x0  }
0x3d: {  	[sflag:s15] =	ssyncadd.s32 $0xFFFFCE00  }
0x3e: {  	[spmem:s14] =	stream.linear.scatter [tilespmem:s17], [sflag:$0x7], $0x3200, $0x38;
	[tilespmem:$0x1F7A0] =	vst v63  }
0x3f: {  	_ =	swait.ge [sflag:s15], $0x3200  }
0x40: {  	[sflag:s15] =	ssyncset.done $0x0  }
0x41: {  	[sflag:s15] =	ssyncadd.s32 $0xFFFFCE00  }
0x42: {  	[spmem:s8] =	stream.linear.scatter [tilespmem:s17], [sflag:$0x7], $0xD00, $0x38;
	[tilespmem:$0x1F7A0] =	vst v63  }
0x43: {  	_ =	swait.ge [sflag:s15], $0xD00  }
0x44: {  	[sflag:s15] =	ssyncset.done $0x0  }
0x45: {  	[sflag:s15] =	ssyncadd.s32 $0xFFFFF300  }
0x46: {  	s2 =	simm.s32 $0x0;
	[bflag:$0x0] =	sbarrier.arrive $0xFFFF  }
0x47: {  	[tilespmem:s17], [sflag:$0x1] =	stream.indirect.gather [hbm4b:s1+s18], $0x80, s2, s18, $0xb8;
	[tilespmem:$0x1F7A0] =	vst v63  }
0x48: {  	s2 =	simm.s32 $0x68  }
0x49: {  	[tilespmem:s20], [sflag:$0x2] =	stream.indirect.gather [hbm4b:s1+s18], $0x80, s2, s18, $0xb8;
	[tilespmem:$0x1F7A0] =	vst v63  }
0x4a: {  	s19 =	simm.s32 $0xD0  }
0x4b: {  	[tilespmem:s22], [sflag:$0x3] =	stream.indirect.gather [hbm4b:s1+s18], $0x80, s19, s18, $0xb8;
	[tilespmem:$0x1F7A0] =	vst v63  }
0x4c: {  	_ =	swait.ge [sflag:s24], $0x3200  }
0x4d: {  	[sflag:s24] =	ssyncset.done $0x0  }
0x4e: {  	s21 =	simm.s32 $0x1450;
	[sflag:s24] =	ssyncadd.s32 $0xFFFFCE00  }
0x4f: {  	[spmem:s3] =	stream.indirect.scatter.add.f32 [tilespmem:s17], [sflag:$0x4], $0x80, s21, s18, $0xb8;
	[tilespmem:$0x1F7A0] =	vst v63  }
0x50: {  	_ =	swait.ge [sflag:s26], $0x3200  }
0x51: {  	[sflag:s26] =	ssyncset.done $0x0  }
0x52: {  	s2 =	simm.s32 $0x14B8;
	[sflag:s26] =	ssyncadd.s32 $0xFFFFCE00  }
0x53: {  	[spmem:s3] =	stream.indirect.scatter.add.f32 [tilespmem:s20], [sflag:$0x5], $0x80, s2, s18, $0xb8;
	[tilespmem:$0x1F7A0] =	vst v63  }
0x54: {  	_ =	swait.ge [sflag:s28], $0x3200  }
0x55: {  	[sflag:s28] =	ssyncset.done $0x0  }
0x56: {  	s21 =	simm.s32 $0x1520;
	[sflag:s28] =	ssyncadd.s32 $0xFFFFCE00  }
0x57: {  	[spmem:s3] =	stream.indirect.scatter.add.f32 [tilespmem:s22], [sflag:$0x6], $0x80, s21, s18, $0xb8;
	[tilespmem:$0x1F7A0] =	vst v63  }
0x58: {  	_ =	swait.ge [sflag:s29], $0x3200  }
0x59: {  	[sflag:s29] =	ssyncset.done $0x0  }
0x5a: {  	s2 =	simm.s32 $0x138;
	[sflag:s29] =	ssyncadd.s32 $0xFFFFCE00  }
0x5b: {  	[tilespmem:s17], [sflag:$0x1] =	stream.indirect.gather [hbm4b:s1+s18], $0x80, s2, s18, $0xb8;
	[tilespmem:$0x1F7A0] =	vst v63  }
0x5c: {  	_ =	swait.ge [sflag:s30], $0x3200  }
0x5d: {  	[sflag:s30] =	ssyncset.done $0x0  }
0x5e: {  	s21 =	simm.s32 $0x1A0;
	[sflag:s30] =	ssyncadd.s32 $0xFFFFCE00  }
0x5f: {  	[tilespmem:s20], [sflag:$0x2] =	stream.indirect.gather [hbm4b:s1+s18], $0x80, s21, s18, $0xb8;
	[tilespmem:$0x1F7A0] =	vst v63  }
0x60: {  	_ =	swait.ge [sflag:s31], $0x3200  }
0x61: {  	[sflag:s31] =	ssyncset.done $0x0  }
0x62: {  	s19 =	simm.s32 $0x4E0;
	s21 =	simm.s32 $0x208;
	[sflag:s31] =	ssyncadd.s32 $0xFFFFCE00  }
.LBB2_4:
0x63: {  	[tilespmem:s22], [sflag:$0x3] =	stream.indirect.gather [hbm4b:s1+s18], $0x80, s21, s18, $0xb8;
	[tilespmem:$0x1F7A0] =	vst v63  }
0x64: {  	s21 =	smov.u32 s19  }
0x65: {  	p0 =	sne.s32 s19, $0x4440;
	s19 =	sadd.s32 $0x4E0, s19;
	_ =	swait.ge [sflag:s24], $0x3200  }
0x66: {  	s21 =	sshra.s32 s21, $0x2;
	[sflag:s24] =	ssyncset.done $0x0  }
0x67: {  	s2 =	sadd.s32 $0x1450, s21;
	[sflag:s24] =	ssyncadd.s32 $0xFFFFCE00  }
0x68: {  	[spmem:s3] =	stream.indirect.scatter.add.f32 [tilespmem:s17], [sflag:$0x4], $0x80, s2, s18, $0xb8;
	[tilespmem:$0x1F7A0] =	vst v63  }
0x69: {  	_ =	swait.ge [sflag:s26], $0x3200  }
0x6a: {  	[sflag:s26] =	ssyncset.done $0x0  }
0x6b: {  	s2 =	sadd.s32 $0x14B8, s21;
	[sflag:s26] =	ssyncadd.s32 $0xFFFFCE00  }
0x6c: {  	[spmem:s3] =	stream.indirect.scatter.add.f32 [tilespmem:s20], [sflag:$0x5], $0x80, s2, s18, $0xb8;
	[tilespmem:$0x1F7A0] =	vst v63  }
0x6d: {  	_ =	swait.ge [sflag:s28], $0x3200  }
0x6e: {  	[sflag:s28] =	ssyncset.done $0x0  }
0x6f: {  	s2 =	sadd.s32 $0x1520, s21;
	[sflag:s28] =	ssyncadd.s32 $0xFFFFCE00  }
0x70: {  	[spmem:s3] =	stream.indirect.scatter.add.f32 [tilespmem:s22], [sflag:$0x6], $0x80, s2, s18, $0xb8;
	[tilespmem:$0x1F7A0] =	vst v63  }
0x71: {  	_ =	swait.ge [sflag:s29], $0x3200  }
0x72: {  	[sflag:s29] =	ssyncset.done $0x0  }
0x73: {  	s2 =	sadd.s32 $0x138, s21;
	[sflag:s29] =	ssyncadd.s32 $0xFFFFCE00  }
0x74: {  	[tilespmem:s17], [sflag:$0x1] =	stream.indirect.gather [hbm4b:s1+s18], $0x80, s2, s18, $0xb8;
	[tilespmem:$0x1F7A0] =	vst v63  }
0x75: {  	_ =	swait.ge [sflag:s30], $0x3200  }
0x76: {  	[sflag:s30] =	ssyncset.done $0x0  }
.Ltmp1:
0x77: {  	s2 =	sadd.s32 $0x1A0, s21;
	[sflag:s30] =	ssyncadd.s32 $0xFFFFCE00;
	(pc) =	sbr.rel @p0 .LBB2_4-.Ltmp1, $4  }
0x78: {  	[tilespmem:s20], [sflag:$0x2] =	stream.indirect.gather [hbm4b:s1+s18], $0x80, s2, s18, $0xb8;
	[tilespmem:$0x1F7A0] =	vst v63  }
0x79: {  	_ =	swait.ge [sflag:s31], $0x3200  }
0x7a: {  	[sflag:s31] =	ssyncset.done $0x0  }
0x7b: {  	s21 =	sadd.s32 $0x208, s21;
	[sflag:s31] =	ssyncadd.s32 $0xFFFFCE00  }
0x7c: {  	[tilespmem:s22], [sflag:$0x3] =	stream.indirect.gather [hbm4b:s1+s18], $0x80, s21, s18, $0xb8;
	[tilespmem:$0x1F7A0] =	vst v63  }
0x7d: {  	_ =	swait.ge [sflag:s24], $0x3200  }
0x7e: {  	[sflag:s24] =	ssyncset.done $0x0  }
0x7f: {  	s2 =	simm.s32 $0x2698;
	[sflag:s24] =	ssyncadd.s32 $0xFFFFCE00  }
0x80: {  	[spmem:s3] =	stream.indirect.scatter.add.f32 [tilespmem:s17], [sflag:$0x4], $0x80, s2, s18, $0xb8;
	[tilespmem:$0x1F7A0] =	vst v63  }
0x81: {  	_ =	swait.ge [sflag:s26], $0x3200  }
0x82: {  	[sflag:s26] =	ssyncset.done $0x0  }
0x83: {  	s19 =	simm.s32 $0x2700;
	[sflag:s26] =	ssyncadd.s32 $0xFFFFCE00  }
0x84: {  	[spmem:s3] =	stream.indirect.scatter.add.f32 [tilespmem:s20], [sflag:$0x5], $0x80, s19, s18, $0xb8;
	[tilespmem:$0x1F7A0] =	vst v63  }
0x85: {  	_ =	swait.ge [sflag:s28], $0x3200  }
0x86: {  	[sflag:s28] =	ssyncset.done $0x0  }
0x87: {  	s21 =	simm.s32 $0x2768;
	[sflag:s28] =	ssyncadd.s32 $0xFFFFCE00  }
0x88: {  	[spmem:s3] =	stream.indirect.scatter.add.f32 [tilespmem:s22], [sflag:$0x6], $0x80, s21, s18, $0xb8;
	[tilespmem:$0x1F7A0] =	vst v63  }
0x89: {  	_ =	swait.ge [sflag:s29], $0x3200  }
0x8a: {  	[sflag:s29] =	ssyncset.done $0x0  }
0x8b: {  	s19 =	simm.s32 $0x1380;
	[sflag:s29] =	ssyncadd.s32 $0xFFFFCE00  }
0x8c: {  	[tilespmem:s17], [sflag:$0x1] =	stream.indirect.gather [hbm4b:s1+s18], $0x80, s19, s18, $0xb8;
	[tilespmem:$0x1F7A0] =	vst v63  }
0x8d: {  	_ =	swait.ge [sflag:s30], $0x3200  }
0x8e: {  	[sflag:s30] =	ssyncset.done $0x0  }
0x8f: {  	s21 =	simm.s32 $0x13E8;
	[sflag:s30] =	ssyncadd.s32 $0xFFFFCE00  }
0x90: {  	[tilespmem:s20], [sflag:$0x2] =	stream.indirect.gather [hbm4b:s1+s18], $0x80, s21, s18, $0xb8;
	[tilespmem:$0x1F7A0] =	vst v63  }
0x91: {  	_ =	swait.ge [sflag:s31], $0x3200  }
0x92: {  	[sflag:s31] =	ssyncset.done $0x0  }
0x93: {  	[sflag:s31] =	ssyncadd.s32 $0xFFFFCE00  }
0x94: {  	_ =	swait.ge [sflag:s24], $0x3200  }
0x95: {  	[sflag:s24] =	ssyncset.done $0x0  }
0x96: {  	s19 =	simm.s32 $0x27D0;
	[sflag:s24] =	ssyncadd.s32 $0xFFFFCE00  }
0x97: {  	[spmem:s3] =	stream.indirect.scatter.add.f32 [tilespmem:s17], [sflag:$0x4], $0x80, s19, s18, $0xb8;
	[tilespmem:$0x1F7A0] =	vst v63  }
0x98: {  	_ =	swait.ge [sflag:s26], $0x3200  }
0x99: {  	[sflag:s26] =	ssyncset.done $0x0  }
0x9a: {  	[sflag:s26] =	ssyncadd.s32 $0xFFFFCE00  }
0x9b: {  	[spmem:s3] =	stream.indirect.scatter.add.f32 [tilespmem:s20], [sflag:$0x5], $0x80, s0, s18, $0xb8;
	[tilespmem:$0x1F7A0] =	vst v63  }
0x9c: {  	_ =	swait.ge [sflag:s29], $0x3200  }
0x9d: {  	[sflag:s29] =	ssyncset.done $0x0  }
0x9e: {  	[sflag:s29] =	ssyncadd.s32 $0xFFFFCE00  }
0x9f: {  	_ =	swait.ge [sflag:s30], $0x3200  }
0xa0: {  	s16 =	sadd.s32 $0x1, s16;
	s21 =	stileid.u32;
	[sflag:s30] =	ssyncset.done $0x0  }
0xa1: {  	p0 =	sne.s32 s16, s9;
	s2 =	sshll.u32 s21, $0x6;
	[sflag:s30] =	ssyncadd.s32 $0xFFFFCE00  }
.Ltmp2:
0xa2: {  	s2 =	sor.u32 $0x1C07, s2;
	[bflag:$0x0] =	sbarrier.arrive $0xFFFF;
	(pc) =	sbr.rel @p0 .LBB2_1-.Ltmp2, $4  }
0xa3: {  	[hbm:s23], [sflag:s2] =	dma.local [spmem:s25], $0x2710  }
0xa4: {  	_ =	swait.ge [sflag:s15], $0x2710  }
0xa5: {  	[sflag:s15] =	ssyncset.done $0x0  }
0xa6: {  	[sflag:s15] =	ssyncadd.s32 $0xFFFFD8F0  }
0xa7: {  	_ =	sfence.sel $0x180000  }
0xa8: {  	[bflag:$0x0] =	sbarrier.arrive $0xFFFF  }
0xa9: {  	_ =	strace $0x9000004D  }
0xaa: {  	s0 =	stileid.u32;
	[bflag:$0x2] =	sbarrier.arrive $0xFFFF  }
0xab: {  	p0 =	sne.s32 s0, $0x0;
	s0 =	rddreg [dreg:$0x3]  }
0xac: {  	s0 =	sadd.s32 @!p0 $0x100000, s0  }
0xad: {  	[sflag:s0] =	ssyncadd.tile.s32 @!p0 $0x1;
	_ =	shalt  }
.Lfunc_end2:
_tile_overlayer_lowered:
.L_overlay_start_2:
0xae: {  	(tag) =	ssettag $0x2  }
0xaf: {  	s0 =	rddreg [dreg:$0x0];
	s2 =	stileid.u32  }
0xb0: {  	s1 =	rddreg [dreg:$0x1];
	p0 =	sne.s32 s2, $0x0  }
0xb1: {  	s3 =	rddreg [dreg:$0x2];
	[bflag:$0x3] =	sbarrier.arrive $0xFFFF;
	s2 =	simm.s32 @!p0 $0x1C07  }
0xb2: {  	[timem:s3], [sflag:s2] =	dma.local @!p0 [hbm:s0], s1  }
0xb3: {  	s0 =	simm.s32 @!p0 $0x7  }
0xb4: {  	_ =	swait.ge @!p0 [sflag:s0], s1  }
0xb5: {  	s1 =	ssub.s32 @!p0 $0x0, s1;
	[sflag:s0] =	ssyncset.done @!p0 $0x0  }
0xb6: {  	[sflag:s0] =	ssyncadd.s32 @!p0 s1  }
0xb7: {  	[bflag:$0x3] =	sbarrier.arrive $0xFFFF  }
0xb8: {  	_ =	shalt  }

// kernel: kernel.9.cloned.1.call-start
scs
__scs_entry_jumppad:
0x0: {  	(pc) =	sbr.rel $0x88, $3  }
0x1: {  	(tag) =	ssettag $0x0;
	lr =	simm.s32 $0x1  }
0x2: {  	[smem:$0x3F9B] =	sst lr;
	_ =	strace $0xD0000000  }
0x3: {  	_ = 	snop  }
0x4: {  	_ = 	snop  }
0x5: {  	_ = 	snop  }
0x6: {  	_ = 	snop  }
0x7: {  	_ = 	snop  }
__scs_overlays_trampoline_lowered:
0x8: {  	[smem:$0x3FAA] =	sst s0  }
0x9: {  	[smem:$0x3FAB] =	sst s1  }
0xa: {  	[smem:$0x3FAC] =	sst s2  }
0xb: {  	[smem:$0x3FAD] =	sst s3  }
0xc: {  	[smem:$0x3FAE] =	sst s4  }
0xd: {  	[smem:$0x3FAF] =	sst s5  }
0xe: {  	[smem:$0x3FB0] =	sst s6  }
0xf: {  	[smem:$0x3FB1] =	sst s7  }
0x10: {  	[smem:$0x3FB2] =	sst s8  }
0x11: {  	[smem:$0x3FB3] =	sst s9;
	s0 =	simm.s32 @!p0 $0x0  }
0x12: {  	s1 =	sld [smem:$0x3F99];
	s0 =	simm.s32 @p0 $0x1  }
0x13: {  	[smem:$0x3FB4] =	sst s0;
	s0 =	simm.s32 @!p1 $0x0  }
0x14: {  	s2 =	sld [smem:$0x3F98];
	s0 =	simm.s32 @p1 $0x1  }
0x15: {  	[smem:$0x3FB5] =	sst s0;
	s0 =	simm.s32 @!p2 $0x0  }
0x16: {  	s3 =	sld [smem:$0x3FDB];
	s0 =	simm.s32 @p2 $0x1  }
0x17: {  	s4 =	simm.s32 $0x1BF5;
	[smem:$0x3FB7] =	sst s0  }
0x18: {  	s0 =	sld [smem:$0x3F9A];
	_ =	swait.ge [sflag:s4], $0x0  }
0x19: {  	s7 =	sld [smem:$0x3F9B]  }
0x1a: {  	s8 =	sadd.s32 $0xFFFFE003, lr  }
0x1b: {  	s9 =	sadd.s32 $0xFFFFFEF7, lr;
	s5 =	simm.s32 $0xFFFFFFFF;
	p2 =	slt.u32 s8, $0xFFFFF086  }
0x1c: {  	p1 =	slt.u32 s9, $0xF7A;
	s5 =	simm.s32 @!p2 $0x0  }
0x1d: {  	s5 =	simm.s32 @p1 $0x1;
	p0 =	seq.s32 s7, s2  }
0x1e: {  	s7 =	smul.u32 @!p0 $0xF7A, s2;
	p2 =	seq.s32 @!p0 s5, $0x0  }
0x1f: {  	s9 =	smul.u32 $0xF7A, s1;
	s8 =	simm.s32 @!p0 $0x1BF5;
	p2 =	por !p2, p0  }
0x20: {  	[sflag:s8] =	ssyncset.s32 @!p0 $0xFFFFF086;
	s6 =	sadd.s32 @!p0 s3, s7;
	s7 =	simm.s32 @!p0 $0x108  }
0x21: {  	s3 =	sadd.s32 s3, s9;
	s6 =	sadd.s32 @!p0 $0x88, s6;
	s7 =	simm.s32 @p2 $0x1082  }
0x22: {  	[simem:s7], [sflag:s8] =	dma.local @!p0 [hbm:s6], $0xF7A  }
0x23: {  	s9 =	sor.u32 $0xD0000000, s2;
	s6 =	simm.s32 $0x108;
	_ =	swait.ge @!p0 [sflag:s8], $0x0  }
0x24: {  	s3 =	sadd.s32 $0x88, s3;
	s6 =	simm.s32 @!p1 $0x1082;
	[sflag:s4] =	ssyncset.s32 $0xFFFFF086  }
0x25: {  	[simem:s6], [sflag:s4] =	dma.local [hbm:s3], $0xF7A  }
0x26: {  	[smem:$0x3F9B] =	sst s1;
	(tag) =	ssettag s2;
	_ =	strace s9  }
0x27: {  	s1 =	sld [smem:$0x3FAB]  }
0x28: {  	s2 =	sld [smem:$0x3FAC]  }
0x29: {  	s4 =	sld [smem:$0x3FAE]  }
0x2a: {  	p0 =	seq.s32 s5, $0x0;
	s5 =	sld [smem:$0x3FAF]  }
0x2b: {  	s6 =	sld [smem:$0x3FB0]  }
0x2c: {  	s7 =	sld [smem:$0x3FB1]  }
0x2d: {  	s3 =	simm.s32 $0x108;
	s8 =	sld [smem:$0x3FB2]  }
0x2e: {  	s3 =	simm.s32 @!p0 $0x1082;
	s9 =	sld [smem:$0x3FB3]  }
0x2f: {  	lr =	sadd.s32 s0, s3;
	s0 =	sld [smem:$0x3FAA]  }
0x30: {  	s3 =	sld [smem:$0x3FAD]  }
0x31: {  	[smem:$0x3FB6] =	sst s10  }
0x32: {  	s10 =	sld [smem:$0x3FB4];
	_ =	sdelay $0x3  }
0x33: {  	p0 =	seq.s32 s10, $0x1;
	s10 =	sld [smem:$0x3FB6];
	_ =	sdelay $0x3  }
0x34: {  	[smem:$0x3FB6] =	sst s10  }
0x35: {  	s10 =	sld [smem:$0x3FB5];
	_ =	sdelay $0x3  }
0x36: {  	p1 =	seq.s32 s10, $0x1;
	s10 =	sld [smem:$0x3FB6];
	_ =	sdelay $0x3  }
0x37: {  	[smem:$0x3FB6] =	sst s10  }
0x38: {  	s10 =	sld [smem:$0x3FB7]  }
0x39: {  	_ = 	snop;
	(pc) =	sbr.ind lr, $3  }
0x3a: {  	_ = 	snop  }
0x3b: {  	_ = 	snop  }
0x3c: {  	p2 =	seq.s32 s10, $0x1;
	s10 =	sld [smem:$0x3FB6]  }
0x3d: {  	_ =	shalt  }
0x3e: {  	_ =	shalt  }
0x3f: {  	_ =	shalt  }
0x40: {  	_ =	shalt  }
0x41: {  	_ =	shalt  }
0x42: {  	_ =	shalt  }
0x43: {  	_ =	shalt  }
0x44: {  	_ =	shalt  }
0x45: {  	_ =	shalt  }
0x46: {  	_ =	shalt  }
0x47: {  	_ =	shalt  }
0x48: {  	_ =	shalt  }
0x49: {  	_ =	shalt  }
0x4a: {  	_ =	shalt  }
0x4b: {  	_ =	shalt  }
0x4c: {  	_ =	shalt  }
0x4d: {  	_ =	shalt  }
0x4e: {  	_ =	shalt  }
0x4f: {  	_ =	shalt  }
0x50: {  	_ =	shalt  }
0x51: {  	_ =	shalt  }
0x52: {  	_ =	shalt  }
0x53: {  	_ =	shalt  }
0x54: {  	_ =	shalt  }
0x55: {  	_ =	shalt  }
0x56: {  	_ =	shalt  }
0x57: {  	_ =	shalt  }
0x58: {  	_ =	shalt  }
0x59: {  	_ =	shalt  }
0x5a: {  	_ =	shalt  }
0x5b: {  	_ =	shalt  }
0x5c: {  	_ =	shalt  }
0x5d: {  	_ =	shalt  }
0x5e: {  	_ =	shalt  }
0x5f: {  	_ =	shalt  }
0x60: {  	_ =	shalt  }
0x61: {  	_ =	shalt  }
0x62: {  	_ =	shalt  }
0x63: {  	_ =	shalt  }
0x64: {  	_ =	shalt  }
0x65: {  	_ =	shalt  }
0x66: {  	_ =	shalt  }
0x67: {  	_ =	shalt  }
0x68: {  	_ =	shalt  }
0x69: {  	_ =	shalt  }
0x6a: {  	_ =	shalt  }
0x6b: {  	_ =	shalt  }
0x6c: {  	_ =	shalt  }
0x6d: {  	_ =	shalt  }
0x6e: {  	_ =	shalt  }
0x6f: {  	_ =	shalt  }
0x70: {  	_ =	shalt  }
0x71: {  	_ =	shalt  }
0x72: {  	_ =	shalt  }
0x73: {  	_ =	shalt  }
0x74: {  	_ =	shalt  }
0x75: {  	_ =	shalt  }
0x76: {  	_ =	shalt  }
0x77: {  	_ =	shalt  }
0x78: {  	_ =	shalt  }
0x79: {  	_ =	shalt  }
0x7a: {  	_ =	shalt  }
0x7b: {  	_ =	shalt  }
0x7c: {  	_ =	shalt  }
0x7d: {  	_ =	shalt  }
0x7e: {  	_ =	shalt  }
0x7f: {  	_ =	shalt  }
0x80: {  	_ =	shalt  }
0x81: {  	_ =	shalt  }
0x82: {  	_ =	shalt  }
0x83: {  	_ =	shalt  }
0x84: {  	_ =	shalt  }
0x85: {  	_ =	shalt  }
0x86: {  	_ =	shalt  }
0x87: {  	_ =	shalt  }
.Lfunc_end0:
.L_simem_size_0:
called_computation_lowered:
.L_overlay_start_0:
0x88: {  	s2 =	sld [smem:$0x3FD9]  }
0x89: {  	s3 =	sld [smem:$0x3FFE];
	_ =	sdelay $0x1  }
0x8a: {  	s1 =	srdreg.scid  }
0x8b: {  	s0 =	sand.u32 $0x1, s1  }
0x8c: {  	s17 =	sshll.u32 s0, $0xA;
	s2 =	sadd.s32 s3, s2  }
0x8d: {  	s2 =	sadd.s32 s2, s17  }
0x8e: {  	[smem:$0x3FC2] =	sst s2  }
0x8f: {  	_ = 	snop  }
0x90: {  	s2 =	sld [smem:$0x3FD0];
	(tm) =	ssettm $0x1  }
0x91: {  	s18 =	sld [smem:$0x3FFB];
	_ =	sdelay $0x3  }
0x92: {  	_ =	strace s18  }
0x93: {  	s3 =	sld [smem:$0x3FFC];
	_ =	sdelay $0x3  }
0x94: {  	_ =	strace s3  }
0x95: {  	s3 =	sld [smem:$0x3FFD];
	_ =	sdelay $0x3  }
0x96: {  	_ =	strace s3  }
0x97: {  	_ =	strace $0x8FFFFFFF  }
0x98: {  	s19 =	sld [smem:$0x3FDB];
	_ =	sdelay $0x1  }
0x99: {  	s4 =	simm.s32 $_scs_section_size  }
0x9a: {  	s5 =	simm.s32 $_size__tile_overlayer_lowered;
	s6 =	simm.s32 $_tile_overlayer_lowered  }
0x9b: {  	s22 =	simm.s32 $0x1BFF;
	s21 =	sshll.u32 s6, $0x1;
	s3 =	sadd.s32 s4, s19  }
0x9c: {  	s7 =	simm.s32 $0x0;
	s20 =	sshll.u32 s5, $0x1;
	s5 =	sadd.s32 s21, s3  }
0x9d: {  	[timem:s7], [sflag:s22] =	dma.local [hbm:s5], s20  }
0x9e: {  	_ =	swait.ge [sflag:s22], s20  }
0x9f: {  	s4 =	ssub.s32 $0x0, s20;
	[sflag:s22] =	ssyncset.done $0x0  }
0xa0: {  	[sflag:s22] =	ssyncadd.s32 s4;
	_ =	sdelay $0x1  }
0xa1: {  	s23 =	simm.s32 $0x1B8B  }
0xa2: {  	_ =	swait.ge [sflag:s23], $0x1  }
0xa3: {  	[sflag:s23] =	ssyncset.done $0x0  }
0xa4: {  	s25 =	simm.s32 $0x1B8E;
	s24 =	sld [smem:$0x3FFE];
	[sflag:s23] =	ssyncadd.s32 $0xFFFFFFFF  }
0xa5: {  	s26 =	simm.s32 $execute0_lowered;
	[smem:$0x3FD2] =	sst s25  }
0xa6: {  	s5 =	sshll.u32 s26, $0x1;
	_ =	strace $0x80000046;
	[dreg:$0x1] =	wrdreg $0xFFFFFFFF  }
0xa7: {  	s28 =	simm.s32 $_size_execute0_lowered;
	s3 =	sadd.s32 s3, s5;
	[dreg:$0x0] =	wrdreg $0x0  }
0xa8: {  	s5 =	sshll.u32 s28, $0x1;
	[dreg:$0x2] =	wrdreg s3  }
0xa9: {  	[dreg:$0x3] =	wrdreg s5  }
0xaa: {  	[dreg:$0x4] =	wrdreg $0xC0  }
0xab: {  	_ =	task [dreg:s7], $0x5FFFF  }
0xac: {  	[dreg:$0x1] =	wrdreg $0xFFFFFFFF  }
0xad: {  	[dreg:$0x0] =	wrdreg $0x60  }
0xae: {  	[dreg:$0x2] =	wrdreg s2  }
0xaf: {  	[dreg:$0x3] =	wrdreg s24  }
0xb0: {  	[dreg:$0x4] =	wrdreg $0x9  }
0xb1: {  	_ =	task.clear_ibuf [dreg:s7], $0x5FFFF;
	_ =	strace $0x90000046  }
0xb2: {  	s29 =	simm.s32 $0x9;
	_ =	strace $0x80000048  }
0xb3: {  	_ =	swait.ge [sflag:s29], $0x1  }
0xb4: {  	[sflag:s29] =	ssyncadd.s32 $0xFFFFFFFF  }
0xb5: {  	_ =	strace $0x90000048  }
0xb6: {  	_ =	sfence  }
0xb7: {  	s30 =	sld [smem:$0x0];
	_ =	sdelay $0x2  }
0xb8: {  	s31 =	sshll.u32 s1, $0xD;
	s1 =	sshrl.u32 s1, $0x2  }
0xb9: {  	s3 =	sand.u32 $0x4000, s31;
	s1 =	sadd.s32 s1, s30  }
0xba: {  	s0 =	sor.u32 s3, s0;
	s1 =	sshll.u32 s1, $0x11  }
0xbb: {  	s0 =	sor.u32 s1, s0  }
0xbc: {  	s0 =	sadd.s32 $0x8F2B, s0  }
0xbd: {  	[sflag:s0] =	ssyncadd.remote.s32 $0x1  }
0xbe: {  	_ =	sfence.sel $0xFFFF  }
0xbf: {  	[dreg:$0x0] =	wrdreg $0xFFFFFFFF;
	(pc) =	sbr.abs _section_cstart, $3  }
0xc0: {  	[dreg:$0x1] =	wrdreg $0xFFFFFFFF  }
0xc1: {  	_ =	task.clear_ibuf [dreg:s7], $0x2FFFF;
	_ =	strace $0x9FFFFFFF  }
0xc2: {  	(tm) =	ssettm $0x7FFFFFFF  }
0xc3: {  	_ =	shalt  }
tec
execute0_lowered:
.L_overlay_start_1:
0x0: {  	(tag) =	ssettag $0x1  }
0x1: {  	s0 =	srdreg.scid;
	s4 =	rddreg [dreg:$0x0]  }
0x2: {  	s5 =	rddreg [dreg:$0x1];
	s3 =	sand.u32 $0x1, s0  }
0x3: {  	s2 =	simm.s32 $0x0;
	s0 =	stileid.u32;
	s1 =	sshll.u32 s3, $0x4  }
0x4: {  	[smem:$0x7FF] =	sst s2;
	s6 =	sor.u32 s0, s1  }
0x5: {  	s3 =	ssub.s32 $0x2, s3;
	s1 =	rddreg [dreg:$0x2];
	s7 =	smul.u32 $0x4E2, s6  }
0x6: {  	_ =	strace $0x80000047;
	s8 =	sshrl.u32 s3, $0x1;
	s6 =	smul.u32 $0x271, s6  }
0x7: {  	s30 =	ssub.s32 s3, s8;
	s8 =	simm.s32 $0x0;
	s5 =	sadd.s32 s7, s5  }
0x8: {  	s31 =	sadd.s32 s6, s4;
	s6 =	simm.s32 $0x1;
	s7 =	simm.s32 $0x1398  }
0x9: {  	v0 =	vimm.s32 $0x0;
	v1 =	vimm.f32 $0.0e+00;
	v2 =	vimm.f32 $1.000000000e+00;
	s3 =	sadd.s32 $0x4E20, s31;
	s4 =	sadd.s32 $0x1C00, s5;
	s5 =	smax.u32 s30, $0x1  }
.LBB2_1:
0xa: {  	[tilespmem:$0x1380] =	vst v0  }
0xb: {  	[tilespmem:s2], [sflag:$0x1] =	stream.linear.gather [hbm4b:s3+s2], $0x1388, $0x38;
	[tilespmem:$0x3AB8] =	vst v63  }
0xc: {  	_ =	swait.ge [sflag:s6], $0x1388  }
0xd: {  	[sflag:s6] =	ssyncset.done $0x0  }
0xe: {  	s9 =	simm.s32 $0x0;
	[sflag:s6] =	ssyncadd.s32 $0xFFFFEC78  }
.LBB2_2:
0xf: {  	p0 =	sne.s32 s9, $0x9C40  }
.Ltmp0:
0x10: {  	_ = 	snop;
	(pc) =	sbr.rel @p0 .LBB2_2-.Ltmp0, $3  }
0x11: {  	_ =	sdelay $0x1  }
0x12: {  	s10 =	sshra.s32 s9, $0x2  }
0x13: {  	s9 =	sadd.s32 $0x40, s9;
	[tilespmem:s10+$0x1398] =	vst v1  }
0x14: {  	s10 =	simm.s32 $0x0;
	s9 =	simm.s32 $0x40  }
.LBB2_4:
0x15: {  	p0 =	sne.s32 s9, $0x4DC0;
	v3 =	vld [tilespmem:s10+$0x0];
	_ =	sdelay $0x3  }
.Ltmp1:
0x16: {  	(pc) =	sbr.rel @p0 .LBB2_4-.Ltmp1, $2  }
0x17: {  	_ =	sdelay $0x2  }
0x18: {  	s10 =	sshra.s32 s9, $0x2;
	s9 =	sadd.s32 $0x40, s9;
	[tilespmem:v3+s7+$0x0] =	vst.idx.add.f32.msk $0xffff, v2  }
0x19: {  	v3 =	vld [tilespmem:s10+$0x0];
	_ =	sdelay $0x7  }
0x1a: {  	[tilespmem:v3+s7+$0x0] =	vst.idx.add.f32.msk $0xffff, v2  }
0x1b: {  	v3 =	vld [tilespmem:$0x1380];
	_ =	sdelay $0x5  }
0x1c: {  	s8 =	sadd.s32 $0x1, s8  }
0x1d: {  	p0 =	sne.s32 s8, s5  }
.Ltmp2:
0x1e: {  	[tilespmem:v3+s7+$0x0] =	vst.idx.add.f32.msk $0xff, v2;
	(pc) =	sbr.rel @p0 .LBB2_1-.Ltmp2, $4  }
0x1f: {  	[hbm4b:s4+s2] =	stream.linear.scatter [tilespmem:s7], [sflag:$0x1], $0x2710, $0x38;
	[tilespmem:$0x3AB8] =	vst v63  }
0x20: {  	_ =	swait.ge [sflag:s6], $0x2710  }
0x21: {  	[sflag:s6] =	ssyncset.done $0x0  }
0x22: {  	[sflag:s6] =	ssyncadd.s32 $0xFFFFD8F0  }
0x23: {  	_ =	sfence.sel $0x180000  }
0x24: {  	[bflag:$0x0] =	sbarrier.arrive $0xFFFF  }
0x25: {  	p0 =	sne.s32 s0, $0x0;
	_ =	strace $0x90000047  }
0x26: {  	s0 =	sadd.s32 @!p0 $0x100000, s1;
	[bflag:$0x2] =	sbarrier.arrive $0xFFFF  }
0x27: {  	[sflag:s0] =	ssyncadd.tile.s32 @!p0 $0x1;
	_ =	shalt  }
.Lfunc_end2:
_tile_overlayer_lowered:
.L_overlay_start_2:
0x28: {  	(tag) =	ssettag $0x2  }
0x29: {  	s0 =	rddreg [dreg:$0x0];
	s2 =	stileid.u32  }
0x2a: {  	s1 =	rddreg [dreg:$0x1];
	p0 =	sne.s32 s2, $0x0  }
0x2b: {  	s3 =	rddreg [dreg:$0x2];
	[bflag:$0x3] =	sbarrier.arrive $0xFFFF;
	s2 =	simm.s32 @!p0 $0x1C01  }
0x2c: {  	[timem:s3], [sflag:s2] =	dma.local @!p0 [hbm:s0], s1  }
0x2d: {  	s0 =	simm.s32 @!p0 $0x1  }
0x2e: {  	_ =	swait.ge @!p0 [sflag:s0], s1  }
0x2f: {  	s1 =	ssub.s32 @!p0 $0x0, s1;
	[sflag:s0] =	ssyncset.done @!p0 $0x0  }
0x30: {  	[sflag:s0] =	ssyncadd.s32 @!p0 s1  }
0x31: {  	[bflag:$0x3] =	sbarrier.arrive $0xFFFF  }
0x32: {  	_ =	shalt  }

</sc_bundles>
